<compile_context>
chip_gen: v7x
topology: tpu7x:2x2x1
jax: 0.10.2.dev20260603
libtpu: 0.0.44.dev20260713+nightly
codegen_flags: <defaults>
</compile_context>

<pallas_src>
import functools

import jax
import jax.numpy as jnp
from jax import lax
from jax.experimental import pallas as pl
from jax.experimental.pallas import tpu as pltpu
from jax.experimental.pallas import tpu_sc as plsc

NUM_CORES = 2
NUM_SUBCORES = 16
NUM_WORKERS = NUM_CORES * NUM_SUBCORES
LANES = 16
CHUNK = 128


@functools.cache
def _build(batch, k_dim):
    assert batch % (NUM_WORKERS * CHUNK) == 0
    b_per_w = batch // NUM_WORKERS
    n_chunks = b_per_w // CHUNK
    mesh = plsc.VectorSubcoreMesh(core_axis_name="c", subcore_axis_name="s")

    @functools.partial(
        pl.kernel,
        out_type=jax.ShapeDtypeStruct((batch,), jnp.float32),
        mesh=mesh,
        scratch_types=[
            pltpu.VMEM((2, CHUNK), jnp.int32),
            pltpu.VMEM((CHUNK,), jnp.int32),
            pltpu.VMEM((CHUNK,), jnp.int32),
            pltpu.VMEM((CHUNK, k_dim), jnp.float32),
            pltpu.VMEM((CHUNK, k_dim), jnp.float32),
            pltpu.VMEM((CHUNK,), jnp.float32),
            pltpu.VMEM((CHUNK,), jnp.float32),
            pltpu.VMEM((CHUNK,), jnp.float32),
            pltpu.VMEM((LANES,), jnp.float32),
            pltpu.SemaphoreType.DMA,
            pltpu.SemaphoreType.DMA,
        ],
        compiler_params=pltpu.CompilerParams(
            needs_layout_passes=False, use_tc_tiling_on_sc=True),
    )
    def fm(idxt_h, w0_h, w_h, v_h, out_h,
           idx_v, u_v, m_v, du_v, dm_v, wu_v, wm_v, out_v, w0_v, sem, sem2):
        wid = lax.axis_index("s") * NUM_CORES + lax.axis_index("c")
        base = wid * b_per_w
        zeros = jnp.zeros((LANES,), jnp.int32)
        iota = lax.iota(jnp.int32, LANES)
        rt_zeros = jnp.minimum(iota, 0)

        pltpu.sync_copy(w0_h, w0_v.at[pl.ds(0, 1)])
        w0_vec = w0_v[...][rt_zeros]

        def chunk_body(c, carry):
            off = base + c * CHUNK
            pltpu.sync_copy(idxt_h.at[pl.ds(0, 2), pl.ds(off, CHUNK)], idx_v)

            def pre_g(g, carry2):
                b0 = g * LANES
                u_v[pl.ds(b0, LANES)] = idx_v[0, pl.ds(b0, LANES)]
                m_v[pl.ds(b0, LANES)] = idx_v[1, pl.ds(b0, LANES)]
                return carry2

            lax.fori_loop(0, CHUNK // LANES, pre_g, 0)
            cpw = [
                pltpu.async_copy(w_h.at[u_v], wu_v, sem2),
                pltpu.async_copy(w_h.at[m_v], wm_v, sem2),
            ]

            def fire(g, carry2):
                b0 = g * LANES
                u16 = u_v[pl.ds(b0, LANES)]
                m16 = m_v[pl.ds(b0, LANES)]
                for lane in range(LANES):
                    pltpu.make_async_copy(
                        v_h.at[pl.ds(u16[lane], 1), pl.ds(0, k_dim)],
                        du_v.at[pl.ds(b0 + lane, 1), pl.ds(0, k_dim)],
                        sem).start()
                    pltpu.make_async_copy(
                        v_h.at[pl.ds(m16[lane], 1), pl.ds(0, k_dim)],
                        dm_v.at[pl.ds(b0 + lane, 1), pl.ds(0, k_dim)],
                        sem).start()
                return carry2

            lax.fori_loop(0, CHUNK // LANES, fire, 0)
            pltpu.make_async_copy(v_h.at[pl.ds(0, CHUNK), pl.ds(0, k_dim)],
                                  du_v, sem).wait()
            pltpu.make_async_copy(v_h.at[pl.ds(0, CHUNK), pl.ds(0, k_dim)],
                                  dm_v, sem).wait()
            for cp in cpw:
                cp.wait()

            def comp_g(g, carry2):
                b0 = g * LANES
                rows = iota + b0
                acc0 = wu_v[pl.ds(b0, LANES)] + wm_v[pl.ds(b0, LANES)] + w0_vec

                def comp_k(k, a):
                    return (a + plsc.load_gather(du_v, [rows, zeros + k])
                            * plsc.load_gather(dm_v, [rows, zeros + k]))

                out_v[pl.ds(b0, LANES)] = lax.fori_loop(0, k_dim, comp_k, acc0)
                return carry2

            lax.fori_loop(0, CHUNK // LANES, comp_g, 0)
            pltpu.sync_copy(out_v, out_h.at[pl.ds(off, CHUNK)])
            return carry

        lax.fori_loop(0, n_chunks, chunk_body, 0)

    return fm


def kernel(idx, w0, w, V):
    return _build(idx.shape[0], V.shape[1])(idx.T, w0, w, V)

# --- scband reference (transcript-rebuilt; emitter-appended) ---
"""Pipeline reference for scband-fm-42288247996616 (READ-ONLY COPY).

The authoritative reference and input builder live on the scoring server;
editing this copy changes nothing except your own understanding.
"""

import jax, jax.numpy as jnp
import numpy as np

N_FEATURES = 1000000
K = 20
Y_MEAN = 3.55
BATCH = 16384

def setup_inputs(seed: int = 0) -> dict:
    key = jax.random.key(seed)
    k_idx, k_V = jax.random.split(key, 2)
    idx = jax.random.randint(k_idx, (BATCH, 2), 0, N_FEATURES, dtype=jnp.int64 if jax.config.jax_enable_x64 else jnp.int32).astype(jnp.int32)
    w0 = jnp.array([Y_MEAN], dtype=jnp.float32)
    w = jnp.zeros((N_FEATURES,), dtype=jnp.float32)
    V = 0.01 * jax.random.normal(k_V, (N_FEATURES, K), dtype=jnp.float32)
    return {"idx": idx, "w0": w0, "w": w, "V": V}

def reference(idx, w0, w, V):
    u = idx[:, 0]
    m = idx[:, 1]
    bias = jnp.broadcast_to(w0, (idx.shape[0],))
    lin = jnp.take(w, u, axis=0) + jnp.take(w, m, axis=0)
    Vu = jnp.take(V, u, axis=0)
    Vm = jnp.take(V, m, axis=0)
    inter = (Vu * Vm).sum(axis=1)
    return bias + lin + inter

if __name__ == "__main__":
    import jax
    _d = setup_inputs()
    print(jax.jit(kernel)(*tuple(_d.values())))

</pallas_src>

<mosaic_0001>
#map = affine_map<(d0, d1) -> (0, 0)>
#map1 = affine_map<(d0, d1) -> (0)>
module attributes {stable_mosaic.version = 14 : i64} {
  func.func @fm(%arg0: i32, %arg1: i32, %arg2: memref<2x16384xi32, #tpu.memory_space<hbm>>, %arg3: memref<1xf32, #tpu.memory_space<hbm>>, %arg4: memref<1000000xf32, #tpu.memory_space<hbm>>, %arg5: memref<1000000x20xf32, #tpu.memory_space<hbm>>, %arg6: memref<16384xf32, #tpu.memory_space<hbm>>, %arg7: memref<2x128xi32, #tpu.memory_space<vmem>>, %arg8: memref<128xi32, #tpu.memory_space<vmem>>, %arg9: memref<128xi32, #tpu.memory_space<vmem>>, %arg10: memref<128x20xf32, #tpu.memory_space<vmem>>, %arg11: memref<128x20xf32, #tpu.memory_space<vmem>>, %arg12: memref<128xf32, #tpu.memory_space<vmem>>, %arg13: memref<128xf32, #tpu.memory_space<vmem>>, %arg14: memref<128xf32, #tpu.memory_space<vmem>>, %arg15: memref<16xf32, #tpu.memory_space<vmem>>, %arg16: memref<!tpu.dma_semaphore, #tpu.memory_space<semaphore_mem>>, %arg17: memref<!tpu.dma_semaphore, #tpu.memory_space<semaphore_mem>>) attributes {dimension_semantics = [#tpu.dimension_semantics<core_parallel>, #tpu.dimension_semantics<subcore_parallel>], iteration_bounds = array<i64: 2, 16>, scalar_prefetch = 0 : i64, scratch_operands = 11 : i64, tpu.core_type = #tpu.core_type<sc_vector_subcore>, window_params = [{transform_indices = #map}, {transform_indices = #map1}, {transform_indices = #map1}, {transform_indices = #map}, {transform_indices = #map1}]} {
    %mul3A = arith.constant 2 : i32
    %mul3A_0 = arith.muli %arg1, %mul3A : i32
    %add3A = arith.addi %mul3A_0, %arg0 : i32
    %mul3A_1 = arith.constant 512 : i32
    %mul3A_2 = arith.muli %add3A, %mul3A_1 : i32
    %broadcast_in_dim3A = arith.constant 0 : i32
    %broadcast_in_dim3A_3 = vector.broadcast %broadcast_in_dim3A : i32 to vector<16xi32>
    %iota3A = tpu.iota {dimensions = array<i32: 0>} : vector<16xi32>
    %min3A = arith.constant 0 : i32
    %min3A_4 = vector.broadcast %min3A : i32 to vector<16xi32>
    %min3A_5 = arith.minsi %iota3A, %min3A_4 : vector<16xi32>
    "tpu.region"() ({
      %run_scoped3A = tpu.sem_alloc : memref<!tpu.dma_semaphore, #tpu.memory_space<semaphore_mem>>
      %dma_start3A = arith.constant 0 : i32
      %dma_start3A_19 = tpu.memref_slice %arg15[%dma_start3A] : memref<16xf32, #tpu.memory_space<vmem>> -> memref<1xf32, #tpu.memory_space<vmem>>
      %dma_start3A_20 = arith.constant 0 : i32
      %dma_start3A_21 = tpu.memref_slice %arg15[%dma_start3A_20] : memref<16xf32, #tpu.memory_space<vmem>> -> memref<1xf32, #tpu.memory_space<vmem>>
      tpu.enqueue_dma source(%arg3 : memref<1xf32, #tpu.memory_space<hbm>>) target(%dma_start3A_21 : memref<1xf32, #tpu.memory_space<vmem>>) target_semaphore(%run_scoped3A : memref<!tpu.dma_semaphore, #tpu.memory_space<semaphore_mem>>)
      %dma_wait3A = arith.constant 0 : i32
      %dma_wait3A_22 = tpu.memref_slice %arg15[%dma_wait3A] : memref<16xf32, #tpu.memory_space<vmem>> -> memref<1xf32, #tpu.memory_space<vmem>>
      %dma_wait3A_23 = arith.constant 0 : i32
      %dma_wait3A_24 = tpu.memref_slice %arg15[%dma_wait3A_23] : memref<16xf32, #tpu.memory_space<vmem>> -> memref<1xf32, #tpu.memory_space<vmem>>
      tpu.wait_dma2 semaphore(%run_scoped3A : memref<!tpu.dma_semaphore, #tpu.memory_space<semaphore_mem>>) src(%arg3 : memref<1xf32, #tpu.memory_space<hbm>>) dst(%dma_wait3A_24 : memref<1xf32, #tpu.memory_space<vmem>>)
      tpu.yield
    }) : () -> ()
    %get3A = arith.constant 0 : index
    %get3A_6 = tpu.vector_load %arg15[%get3A] {strides = array<i32>} : memref<16xf32, #tpu.memory_space<vmem>>, vector<16xf32>,
    %lt3A = arith.constant 0 : i32
    %lt3A_7 = vector.broadcast %lt3A : i32 to vector<16xi32>
    %lt3A_8 = arith.cmpi slt, %min3A_5, %lt3A_7 : vector<16xi32>
    %add3A_9 = arith.constant 16 : i32
    %add3A_10 = vector.broadcast %add3A_9 : i32 to vector<16xi32>
    %add3A_11 = arith.addi %min3A_5, %add3A_10 : vector<16xi32>
    %select_n3A = arith.select %lt3A_8, %add3A_11, %min3A_5 : vector<16xi1>, vector<16xi32>
    %broadcast_in_dim3A_12 = vector.shape_cast %select_n3A : vector<16xi32> to vector<16x1xi32>
    %gather3A = vector.shape_cast %broadcast_in_dim3A_12 : vector<16x1xi32> to vector<16xi32>
    %gather3A_13 = tpu.dynamic_gather %get3A_6[%gather3A] in [0] : vector<16xf32>, vector<16xi32> -> vector<16xf32>
    %scan3A = arith.constant 0 : i32
    %scan3A_14 = arith.constant 0 : i32
    %scan3A_15 = arith.constant 4 : i32
    %scan3A_16 = arith.addi %scan3A_14, %scan3A_15 : i32
    %scan3A_17 = arith.constant 1 : i32
    scf.for %scan3A_19 = %scan3A_14 to %scan3A_16 step %scan3A_17  : i32 {
      %mul3A_20 = arith.constant 128 : i32
      %mul3A_21 = arith.muli %scan3A_19, %mul3A_20 : i32
      %add3A_22 = arith.addi %mul3A_2, %mul3A_21 : i32
      "tpu.region"() ({
        %run_scoped3A = tpu.sem_alloc : memref<!tpu.dma_semaphore, #tpu.memory_space<semaphore_mem>>
        %dma_start3A_59 = arith.constant 0 : i32
        %dma_start3A_60 = tpu.memref_slice %arg2[%dma_start3A_59, %add3A_22] : memref<2x16384xi32, #tpu.memory_space<hbm>> -> memref<2x128xi32, #tpu.memory_space<hbm>>
        %dma_start3A_61 = arith.constant 0 : i32
        %dma_start3A_62 = tpu.memref_slice %arg2[%dma_start3A_61, %add3A_22] : memref<2x16384xi32, #tpu.memory_space<hbm>> -> memref<2x128xi32, #tpu.memory_space<hbm>>
        tpu.enqueue_dma source(%dma_start3A_62 : memref<2x128xi32, #tpu.memory_space<hbm>>) target(%arg7 : memref<2x128xi32, #tpu.memory_space<vmem>>) target_semaphore(%run_scoped3A : memref<!tpu.dma_semaphore, #tpu.memory_space<semaphore_mem>>)
        %dma_wait3A_63 = arith.constant 0 : i32
        %dma_wait3A_64 = tpu.memref_slice %arg2[%dma_wait3A_63, %add3A_22] : memref<2x16384xi32, #tpu.memory_space<hbm>> -> memref<2x128xi32, #tpu.memory_space<hbm>>
        %dma_wait3A_65 = arith.constant 0 : i32
        %dma_wait3A_66 = tpu.memref_slice %arg2[%dma_wait3A_65, %add3A_22] : memref<2x16384xi32, #tpu.memory_space<hbm>> -> memref<2x128xi32, #tpu.memory_space<hbm>>
        tpu.wait_dma2 semaphore(%run_scoped3A : memref<!tpu.dma_semaphore, #tpu.memory_space<semaphore_mem>>) src(%dma_wait3A_66 : memref<2x128xi32, #tpu.memory_space<hbm>>) dst(%arg7 : memref<2x128xi32, #tpu.memory_space<vmem>>)
        tpu.yield
      }) : () -> ()
      %scan3A_23 = arith.constant 0 : i32
      %scan3A_24 = arith.constant 0 : i32
      %scan3A_25 = arith.constant 8 : i32
      %scan3A_26 = arith.addi %scan3A_24, %scan3A_25 : i32
      %scan3A_27 = arith.constant 1 : i32
      scf.for %scan3A_59 = %scan3A_24 to %scan3A_26 step %scan3A_27  : i32 {
        %mul3A_60 = arith.constant 16 : i32
        %mul3A_61 = arith.muli %scan3A_59, %mul3A_60 : i32
        %get3A_62 = arith.constant 0 : i32
        %get3A_63 = arith.index_cast %get3A_62 : i32 to index
        %get3A_64 = arith.index_cast %mul3A_61 : i32 to index
        %get3A_65 = tpu.vector_load %arg7[%get3A_63, %get3A_64] {strides = array<i32>} : memref<2x128xi32, #tpu.memory_space<vmem>>, vector<16xi32>,
        %swap3A = arith.index_cast %mul3A_61 : i32 to index
        %swap3A_66 = tpu.vector_load %arg8[%swap3A] {strides = array<i32>} : memref<128xi32, #tpu.memory_space<vmem>>, vector<16xi32>,
        tpu.vector_store %arg8[%swap3A], %get3A_65 {strides = array<i32>} : memref<128xi32, #tpu.memory_space<vmem>>, vector<16xi32>,
        %get3A_67 = arith.constant 1 : i32
        %get3A_68 = arith.index_cast %get3A_67 : i32 to index
        %get3A_69 = arith.index_cast %mul3A_61 : i32 to index
        %get3A_70 = tpu.vector_load %arg7[%get3A_68, %get3A_69] {strides = array<i32>} : memref<2x128xi32, #tpu.memory_space<vmem>>, vector<16xi32>,
        %swap3A_71 = arith.index_cast %mul3A_61 : i32 to index
        %swap3A_72 = tpu.vector_load %arg9[%swap3A_71] {strides = array<i32>} : memref<128xi32, #tpu.memory_space<vmem>>, vector<16xi32>,
        tpu.vector_store %arg9[%swap3A_71], %get3A_70 {strides = array<i32>} : memref<128xi32, #tpu.memory_space<vmem>>, vector<16xi32>,
      }
      %scan3A_28 = arith.constant 8 : i32
      %dma_start3A = arith.constant 0 : i32
      %dma_start3A_29 = tpu.memref_slice %arg4[%dma_start3A] : memref<1000000xf32, #tpu.memory_space<hbm>> -> memref<1000000xf32, #tpu.memory_space<hbm>>
      tpu.enqueue_indirect_dma source(%dma_start3A_29 : memref<1000000xf32, #tpu.memory_space<hbm>>) target(%arg12 : memref<128xf32, #tpu.memory_space<vmem>>) offsets(%arg8 : memref<128xi32, #tpu.memory_space<vmem>>) semaphore(%arg17 : memref<!tpu.dma_semaphore, #tpu.memory_space<semaphore_mem>>)
      %dma_start3A_30 = arith.constant 0 : i32
      %dma_start3A_31 = tpu.memref_slice %arg4[%dma_start3A_30] : memref<1000000xf32, #tpu.memory_space<hbm>> -> memref<1000000xf32, #tpu.memory_space<hbm>>
      tpu.enqueue_indirect_dma source(%dma_start3A_31 : memref<1000000xf32, #tpu.memory_space<hbm>>) target(%arg13 : memref<128xf32, #tpu.memory_space<vmem>>) offsets(%arg9 : memref<128xi32, #tpu.memory_space<vmem>>) semaphore(%arg17 : memref<!tpu.dma_semaphore, #tpu.memory_space<semaphore_mem>>)
      %scan3A_32 = arith.constant 0 : i32
      %scan3A_33 = arith.constant 0 : i32
      %scan3A_34 = arith.constant 8 : i32
      %scan3A_35 = arith.addi %scan3A_33, %scan3A_34 : i32
      %scan3A_36 = arith.constant 1 : i32
      scf.for %scan3A_59 = %scan3A_33 to %scan3A_35 step %scan3A_36  : i32 {
        %mul3A_60 = arith.constant 16 : i32
        %mul3A_61 = arith.muli %scan3A_59, %mul3A_60 : i32
        %get3A_62 = arith.index_cast %mul3A_61 : i32 to index
        %get3A_63 = tpu.vector_load %arg8[%get3A_62] {strides = array<i32>} : memref<128xi32, #tpu.memory_space<vmem>>, vector<16xi32>,
        %get3A_64 = arith.index_cast %mul3A_61 : i32 to index
        %get3A_65 = tpu.vector_load %arg9[%get3A_64] {strides = array<i32>} : memref<128xi32, #tpu.memory_space<vmem>>, vector<16xi32>,
        %slice3A = vector.extract_strided_slice %get3A_63 {offsets = [0], sizes = [1], strides = [1]} : vector<16xi32> to vector<1xi32>
        %squeeze3A = vector.extract %slice3A[0] : i32 from vector<1xi32>
        %add3A_66 = arith.constant 0 : i32
        %add3A_67 = arith.addi %mul3A_61, %add3A_66 : i32
        %dma_start3A_68 = arith.constant 0 : i32
        %dma_start3A_69 = tpu.memref_slice %arg10[%add3A_67, %dma_start3A_68] : memref<128x20xf32, #tpu.memory_space<vmem>> -> memref<1x20xf32, #tpu.memory_space<vmem>>
        %dma_start3A_70 = arith.constant 0 : i32
        %dma_start3A_71 = tpu.memref_slice %arg5[%squeeze3A, %dma_start3A_70] : memref<1000000x20xf32, #tpu.memory_space<hbm>> -> memref<1x20xf32, #tpu.memory_space<hbm>>
        %dma_start3A_72 = arith.constant 0 : i32
        %dma_start3A_73 = tpu.memref_slice %arg10[%add3A_67, %dma_start3A_72] : memref<128x20xf32, #tpu.memory_space<vmem>> -> memref<1x20xf32, #tpu.memory_space<vmem>>
        %dma_start3A_74 = arith.constant 0 : i32
        %dma_start3A_75 = tpu.memref_slice %arg5[%squeeze3A, %dma_start3A_74] : memref<1000000x20xf32, #tpu.memory_space<hbm>> -> memref<1x20xf32, #tpu.memory_space<hbm>>
        tpu.enqueue_dma source(%dma_start3A_75 : memref<1x20xf32, #tpu.memory_space<hbm>>) target(%dma_start3A_73 : memref<1x20xf32, #tpu.memory_space<vmem>>) target_semaphore(%arg16 : memref<!tpu.dma_semaphore, #tpu.memory_space<semaphore_mem>>)
        %slice3A_76 = vector.extract_strided_slice %get3A_65 {offsets = [0], sizes = [1], strides = [1]} : vector<16xi32> to vector<1xi32>
        %squeeze3A_77 = vector.extract %slice3A_76[0] : i32 from vector<1xi32>
        %add3A_78 = arith.constant 0 : i32
        %add3A_79 = arith.addi %mul3A_61, %add3A_78 : i32
        %dma_start3A_80 = arith.constant 0 : i32
        %dma_start3A_81 = tpu.memref_slice %arg11[%add3A_79, %dma_start3A_80] : memref<128x20xf32, #tpu.memory_space<vmem>> -> memref<1x20xf32, #tpu.memory_space<vmem>>
        %dma_start3A_82 = arith.constant 0 : i32
        %dma_start3A_83 = tpu.memref_slice %arg5[%squeeze3A_77, %dma_start3A_82] : memref<1000000x20xf32, #tpu.memory_space<hbm>> -> memref<1x20xf32, #tpu.memory_space<hbm>>
        %dma_start3A_84 = arith.constant 0 : i32
        %dma_start3A_85 = tpu.memref_slice %arg11[%add3A_79, %dma_start3A_84] : memref<128x20xf32, #tpu.memory_space<vmem>> -> memref<1x20xf32, #tpu.memory_space<vmem>>
        %dma_start3A_86 = arith.constant 0 : i32
        %dma_start3A_87 = tpu.memref_slice %arg5[%squeeze3A_77, %dma_start3A_86] : memref<1000000x20xf32, #tpu.memory_space<hbm>> -> memref<1x20xf32, #tpu.memory_space<hbm>>
        tpu.enqueue_dma source(%dma_start3A_87 : memref<1x20xf32, #tpu.memory_space<hbm>>) target(%dma_start3A_85 : memref<1x20xf32, #tpu.memory_space<vmem>>) target_semaphore(%arg16 : memref<!tpu.dma_semaphore, #tpu.memory_space<semaphore_mem>>)
        %slice3A_88 = vector.extract_strided_slice %get3A_63 {offsets = [1], sizes = [1], strides = [1]} : vector<16xi32> to vector<1xi32>
        %squeeze3A_89 = vector.extract %slice3A_88[0] : i32 from vector<1xi32>
        %add3A_90 = arith.constant 1 : i32
        %add3A_91 = arith.addi %mul3A_61, %add3A_90 : i32
        %dma_start3A_92 = arith.constant 0 : i32
        %dma_start3A_93 = tpu.memref_slice %arg10[%add3A_91, %dma_start3A_92] : memref<128x20xf32, #tpu.memory_space<vmem>> -> memref<1x20xf32, #tpu.memory_space<vmem>>
        %dma_start3A_94 = arith.constant 0 : i32
        %dma_start3A_95 = tpu.memref_slice %arg5[%squeeze3A_89, %dma_start3A_94] : memref<1000000x20xf32, #tpu.memory_space<hbm>> -> memref<1x20xf32, #tpu.memory_space<hbm>>
        %dma_start3A_96 = arith.constant 0 : i32
        %dma_start3A_97 = tpu.memref_slice %arg10[%add3A_91, %dma_start3A_96] : memref<128x20xf32, #tpu.memory_space<vmem>> -> memref<1x20xf32, #tpu.memory_space<vmem>>
        %dma_start3A_98 = arith.constant 0 : i32
        %dma_start3A_99 = tpu.memref_slice %arg5[%squeeze3A_89, %dma_start3A_98] : memref<1000000x20xf32, #tpu.memory_space<hbm>> -> memref<1x20xf32, #tpu.memory_space<hbm>>
        tpu.enqueue_dma source(%dma_start3A_99 : memref<1x20xf32, #tpu.memory_space<hbm>>) target(%dma_start3A_97 : memref<1x20xf32, #tpu.memory_space<vmem>>) target_semaphore(%arg16 : memref<!tpu.dma_semaphore, #tpu.memory_space<semaphore_mem>>)
        %slice3A_100 = vector.extract_strided_slice %get3A_65 {offsets = [1], sizes = [1], strides = [1]} : vector<16xi32> to vector<1xi32>
        %squeeze3A_101 = vector.extract %slice3A_100[0] : i32 from vector<1xi32>
        %add3A_102 = arith.constant 1 : i32
        %add3A_103 = arith.addi %mul3A_61, %add3A_102 : i32
        %dma_start3A_104 = arith.constant 0 : i32
        %dma_start3A_105 = tpu.memref_slice %arg11[%add3A_103, %dma_start3A_104] : memref<128x20xf32, #tpu.memory_space<vmem>> -> memref<1x20xf32, #tpu.memory_space<vmem>>
        %dma_start3A_106 = arith.constant 0 : i32
        %dma_start3A_107 = tpu.memref_slice %arg5[%squeeze3A_101, %dma_start3A_106] : memref<1000000x20xf32, #tpu.memory_space<hbm>> -> memref<1x20xf32, #tpu.memory_space<hbm>>
        %dma_start3A_108 = arith.constant 0 : i32
        %dma_start3A_109 = tpu.memref_slice %arg11[%add3A_103, %dma_start3A_108] : memref<128x20xf32, #tpu.memory_space<vmem>> -> memref<1x20xf32, #tpu.memory_space<vmem>>
        %dma_start3A_110 = arith.constant 0 : i32
        %dma_start3A_111 = tpu.memref_slice %arg5[%squeeze3A_101, %dma_start3A_110] : memref<1000000x20xf32, #tpu.memory_space<hbm>> -> memref<1x20xf32, #tpu.memory_space<hbm>>
        tpu.enqueue_dma source(%dma_start3A_111 : memref<1x20xf32, #tpu.memory_space<hbm>>) target(%dma_start3A_109 : memref<1x20xf32, #tpu.memory_space<vmem>>) target_semaphore(%arg16 : memref<!tpu.dma_semaphore, #tpu.memory_space<semaphore_mem>>)
        %slice3A_112 = vector.extract_strided_slice %get3A_63 {offsets = [2], sizes = [1], strides = [1]} : vector<16xi32> to vector<1xi32>
        %squeeze3A_113 = vector.extract %slice3A_112[0] : i32 from vector<1xi32>
        %add3A_114 = arith.constant 2 : i32
        %add3A_115 = arith.addi %mul3A_61, %add3A_114 : i32
        %dma_start3A_116 = arith.constant 0 : i32
        %dma_start3A_117 = tpu.memref_slice %arg10[%add3A_115, %dma_start3A_116] : memref<128x20xf32, #tpu.memory_space<vmem>> -> memref<1x20xf32, #tpu.memory_space<vmem>>
        %dma_start3A_118 = arith.constant 0 : i32
        %dma_start3A_119 = tpu.memref_slice %arg5[%squeeze3A_113, %dma_start3A_118] : memref<1000000x20xf32, #tpu.memory_space<hbm>> -> memref<1x20xf32, #tpu.memory_space<hbm>>
        %dma_start3A_120 = arith.constant 0 : i32
        %dma_start3A_121 = tpu.memref_slice %arg10[%add3A_115, %dma_start3A_120] : memref<128x20xf32, #tpu.memory_space<vmem>> -> memref<1x20xf32, #tpu.memory_space<vmem>>
        %dma_start3A_122 = arith.constant 0 : i32
        %dma_start3A_123 = tpu.memref_slice %arg5[%squeeze3A_113, %dma_start3A_122] : memref<1000000x20xf32, #tpu.memory_space<hbm>> -> memref<1x20xf32, #tpu.memory_space<hbm>>
        tpu.enqueue_dma source(%dma_start3A_123 : memref<1x20xf32, #tpu.memory_space<hbm>>) target(%dma_start3A_121 : memref<1x20xf32, #tpu.memory_space<vmem>>) target_semaphore(%arg16 : memref<!tpu.dma_semaphore, #tpu.memory_space<semaphore_mem>>)
        %slice3A_124 = vector.extract_strided_slice %get3A_65 {offsets = [2], sizes = [1], strides = [1]} : vector<16xi32> to vector<1xi32>
        %squeeze3A_125 = vector.extract %slice3A_124[0] : i32 from vector<1xi32>
        %add3A_126 = arith.constant 2 : i32
        %add3A_127 = arith.addi %mul3A_61, %add3A_126 : i32
        %dma_start3A_128 = arith.constant 0 : i32
        %dma_start3A_129 = tpu.memref_slice %arg11[%add3A_127, %dma_start3A_128] : memref<128x20xf32, #tpu.memory_space<vmem>> -> memref<1x20xf32, #tpu.memory_space<vmem>>
        %dma_start3A_130 = arith.constant 0 : i32
        %dma_start3A_131 = tpu.memref_slice %arg5[%squeeze3A_125, %dma_start3A_130] : memref<1000000x20xf32, #tpu.memory_space<hbm>> -> memref<1x20xf32, #tpu.memory_space<hbm>>
        %dma_start3A_132 = arith.constant 0 : i32
        %dma_start3A_133 = tpu.memref_slice %arg11[%add3A_127, %dma_start3A_132] : memref<128x20xf32, #tpu.memory_space<vmem>> -> memref<1x20xf32, #tpu.memory_space<vmem>>
        %dma_start3A_134 = arith.constant 0 : i32
        %dma_start3A_135 = tpu.memref_slice %arg5[%squeeze3A_125, %dma_start3A_134] : memref<1000000x20xf32, #tpu.memory_space<hbm>> -> memref<1x20xf32, #tpu.memory_space<hbm>>
        tpu.enqueue_dma source(%dma_start3A_135 : memref<1x20xf32, #tpu.memory_space<hbm>>) target(%dma_start3A_133 : memref<1x20xf32, #tpu.memory_space<vmem>>) target_semaphore(%arg16 : memref<!tpu.dma_semaphore, #tpu.memory_space<semaphore_mem>>)
        %slice3A_136 = vector.extract_strided_slice %get3A_63 {offsets = [3], sizes = [1], strides = [1]} : vector<16xi32> to vector<1xi32>
        %squeeze3A_137 = vector.extract %slice3A_136[0] : i32 from vector<1xi32>
        %add3A_138 = arith.constant 3 : i32
        %add3A_139 = arith.addi %mul3A_61, %add3A_138 : i32
        %dma_start3A_140 = arith.constant 0 : i32
        %dma_start3A_141 = tpu.memref_slice %arg10[%add3A_139, %dma_start3A_140] : memref<128x20xf32, #tpu.memory_space<vmem>> -> memref<1x20xf32, #tpu.memory_space<vmem>>
        %dma_start3A_142 = arith.constant 0 : i32
        %dma_start3A_143 = tpu.memref_slice %arg5[%squeeze3A_137, %dma_start3A_142] : memref<1000000x20xf32, #tpu.memory_space<hbm>> -> memref<1x20xf32, #tpu.memory_space<hbm>>
        %dma_start3A_144 = arith.constant 0 : i32
        %dma_start3A_145 = tpu.memref_slice %arg10[%add3A_139, %dma_start3A_144] : memref<128x20xf32, #tpu.memory_space<vmem>> -> memref<1x20xf32, #tpu.memory_space<vmem>>
        %dma_start3A_146 = arith.constant 0 : i32
        %dma_start3A_147 = tpu.memref_slice %arg5[%squeeze3A_137, %dma_start3A_146] : memref<1000000x20xf32, #tpu.memory_space<hbm>> -> memref<1x20xf32, #tpu.memory_space<hbm>>
        tpu.enqueue_dma source(%dma_start3A_147 : memref<1x20xf32, #tpu.memory_space<hbm>>) target(%dma_start3A_145 : memref<1x20xf32, #tpu.memory_space<vmem>>) target_semaphore(%arg16 : memref<!tpu.dma_semaphore, #tpu.memory_space<semaphore_mem>>)
        %slice3A_148 = vector.extract_strided_slice %get3A_65 {offsets = [3], sizes = [1], strides = [1]} : vector<16xi32> to vector<1xi32>
        %squeeze3A_149 = vector.extract %slice3A_148[0] : i32 from vector<1xi32>
        %add3A_150 = arith.constant 3 : i32
        %add3A_151 = arith.addi %mul3A_61, %add3A_150 : i32
        %dma_start3A_152 = arith.constant 0 : i32
        %dma_start3A_153 = tpu.memref_slice %arg11[%add3A_151, %dma_start3A_152] : memref<128x20xf32, #tpu.memory_space<vmem>> -> memref<1x20xf32, #tpu.memory_space<vmem>>
        %dma_start3A_154 = arith.constant 0 : i32
        %dma_start3A_155 = tpu.memref_slice %arg5[%squeeze3A_149, %dma_start3A_154] : memref<1000000x20xf32, #tpu.memory_space<hbm>> -> memref<1x20xf32, #tpu.memory_space<hbm>>
        %dma_start3A_156 = arith.constant 0 : i32
        %dma_start3A_157 = tpu.memref_slice %arg11[%add3A_151, %dma_start3A_156] : memref<128x20xf32, #tpu.memory_space<vmem>> -> memref<1x20xf32, #tpu.memory_space<vmem>>
        %dma_start3A_158 = arith.constant 0 : i32
        %dma_start3A_159 = tpu.memref_slice %arg5[%squeeze3A_149, %dma_start3A_158] : memref<1000000x20xf32, #tpu.memory_space<hbm>> -> memref<1x20xf32, #tpu.memory_space<hbm>>
        tpu.enqueue_dma source(%dma_start3A_159 : memref<1x20xf32, #tpu.memory_space<hbm>>) target(%dma_start3A_157 : memref<1x20xf32, #tpu.memory_space<vmem>>) target_semaphore(%arg16 : memref<!tpu.dma_semaphore, #tpu.memory_space<semaphore_mem>>)
        %slice3A_160 = vector.extract_strided_slice %get3A_63 {offsets = [4], sizes = [1], strides = [1]} : vector<16xi32> to vector<1xi32>
        %squeeze3A_161 = vector.extract %slice3A_160[0] : i32 from vector<1xi32>
        %add3A_162 = arith.constant 4 : i32
        %add3A_163 = arith.addi %mul3A_61, %add3A_162 : i32
        %dma_start3A_164 = arith.constant 0 : i32
        %dma_start3A_165 = tpu.memref_slice %arg10[%add3A_163, %dma_start3A_164] : memref<128x20xf32, #tpu.memory_space<vmem>> -> memref<1x20xf32, #tpu.memory_space<vmem>>
        %dma_start3A_166 = arith.constant 0 : i32
        %dma_start3A_167 = tpu.memref_slice %arg5[%squeeze3A_161, %dma_start3A_166] : memref<1000000x20xf32, #tpu.memory_space<hbm>> -> memref<1x20xf32, #tpu.memory_space<hbm>>
        %dma_start3A_168 = arith.constant 0 : i32
        %dma_start3A_169 = tpu.memref_slice %arg10[%add3A_163, %dma_start3A_168] : memref<128x20xf32, #tpu.memory_space<vmem>> -> memref<1x20xf32, #tpu.memory_space<vmem>>
        %dma_start3A_170 = arith.constant 0 : i32
        %dma_start3A_171 = tpu.memref_slice %arg5[%squeeze3A_161, %dma_start3A_170] : memref<1000000x20xf32, #tpu.memory_space<hbm>> -> memref<1x20xf32, #tpu.memory_space<hbm>>
        tpu.enqueue_dma source(%dma_start3A_171 : memref<1x20xf32, #tpu.memory_space<hbm>>) target(%dma_start3A_169 : memref<1x20xf32, #tpu.memory_space<vmem>>) target_semaphore(%arg16 : memref<!tpu.dma_semaphore, #tpu.memory_space<semaphore_mem>>)
        %slice3A_172 = vector.extract_strided_slice %get3A_65 {offsets = [4], sizes = [1], strides = [1]} : vector<16xi32> to vector<1xi32>
        %squeeze3A_173 = vector.extract %slice3A_172[0] : i32 from vector<1xi32>
        %add3A_174 = arith.constant 4 : i32
        %add3A_175 = arith.addi %mul3A_61, %add3A_174 : i32
        %dma_start3A_176 = arith.constant 0 : i32
        %dma_start3A_177 = tpu.memref_slice %arg11[%add3A_175, %dma_start3A_176] : memref<128x20xf32, #tpu.memory_space<vmem>> -> memref<1x20xf32, #tpu.memory_space<vmem>>
        %dma_start3A_178 = arith.constant 0 : i32
        %dma_start3A_179 = tpu.memref_slice %arg5[%squeeze3A_173, %dma_start3A_178] : memref<1000000x20xf32, #tpu.memory_space<hbm>> -> memref<1x20xf32, #tpu.memory_space<hbm>>
        %dma_start3A_180 = arith.constant 0 : i32
        %dma_start3A_181 = tpu.memref_slice %arg11[%add3A_175, %dma_start3A_180] : memref<128x20xf32, #tpu.memory_space<vmem>> -> memref<1x20xf32, #tpu.memory_space<vmem>>
        %dma_start3A_182 = arith.constant 0 : i32
        %dma_start3A_183 = tpu.memref_slice %arg5[%squeeze3A_173, %dma_start3A_182] : memref<1000000x20xf32, #tpu.memory_space<hbm>> -> memref<1x20xf32, #tpu.memory_space<hbm>>
        tpu.enqueue_dma source(%dma_start3A_183 : memref<1x20xf32, #tpu.memory_space<hbm>>) target(%dma_start3A_181 : memref<1x20xf32, #tpu.memory_space<vmem>>) target_semaphore(%arg16 : memref<!tpu.dma_semaphore, #tpu.memory_space<semaphore_mem>>)
        %slice3A_184 = vector.extract_strided_slice %get3A_63 {offsets = [5], sizes = [1], strides = [1]} : vector<16xi32> to vector<1xi32>
        %squeeze3A_185 = vector.extract %slice3A_184[0] : i32 from vector<1xi32>
        %add3A_186 = arith.constant 5 : i32
        %add3A_187 = arith.addi %mul3A_61, %add3A_186 : i32
        %dma_start3A_188 = arith.constant 0 : i32
        %dma_start3A_189 = tpu.memref_slice %arg10[%add3A_187, %dma_start3A_188] : memref<128x20xf32, #tpu.memory_space<vmem>> -> memref<1x20xf32, #tpu.memory_space<vmem>>
        %dma_start3A_190 = arith.constant 0 : i32
        %dma_start3A_191 = tpu.memref_slice %arg5[%squeeze3A_185, %dma_start3A_190] : memref<1000000x20xf32, #tpu.memory_space<hbm>> -> memref<1x20xf32, #tpu.memory_space<hbm>>
        %dma_start3A_192 = arith.constant 0 : i32
        %dma_start3A_193 = tpu.memref_slice %arg10[%add3A_187, %dma_start3A_192] : memref<128x20xf32, #tpu.memory_space<vmem>> -> memref<1x20xf32, #tpu.memory_space<vmem>>
        %dma_start3A_194 = arith.constant 0 : i32
        %dma_start3A_195 = tpu.memref_slice %arg5[%squeeze3A_185, %dma_start3A_194] : memref<1000000x20xf32, #tpu.memory_space<hbm>> -> memref<1x20xf32, #tpu.memory_space<hbm>>
        tpu.enqueue_dma source(%dma_start3A_195 : memref<1x20xf32, #tpu.memory_space<hbm>>) target(%dma_start3A_193 : memref<1x20xf32, #tpu.memory_space<vmem>>) target_semaphore(%arg16 : memref<!tpu.dma_semaphore, #tpu.memory_space<semaphore_mem>>)
        %slice3A_196 = vector.extract_strided_slice %get3A_65 {offsets = [5], sizes = [1], strides = [1]} : vector<16xi32> to vector<1xi32>
        %squeeze3A_197 = vector.extract %slice3A_196[0] : i32 from vector<1xi32>
        %add3A_198 = arith.constant 5 : i32
        %add3A_199 = arith.addi %mul3A_61, %add3A_198 : i32
        %dma_start3A_200 = arith.constant 0 : i32
        %dma_start3A_201 = tpu.memref_slice %arg11[%add3A_199, %dma_start3A_200] : memref<128x20xf32, #tpu.memory_space<vmem>> -> memref<1x20xf32, #tpu.memory_space<vmem>>
        %dma_start3A_202 = arith.constant 0 : i32
        %dma_start3A_203 = tpu.memref_slice %arg5[%squeeze3A_197, %dma_start3A_202] : memref<1000000x20xf32, #tpu.memory_space<hbm>> -> memref<1x20xf32, #tpu.memory_space<hbm>>
        %dma_start3A_204 = arith.constant 0 : i32
        %dma_start3A_205 = tpu.memref_slice %arg11[%add3A_199, %dma_start3A_204] : memref<128x20xf32, #tpu.memory_space<vmem>> -> memref<1x20xf32, #tpu.memory_space<vmem>>
        %dma_start3A_206 = arith.constant 0 : i32
        %dma_start3A_207 = tpu.memref_slice %arg5[%squeeze3A_197, %dma_start3A_206] : memref<1000000x20xf32, #tpu.memory_space<hbm>> -> memref<1x20xf32, #tpu.memory_space<hbm>>
        tpu.enqueue_dma source(%dma_start3A_207 : memref<1x20xf32, #tpu.memory_space<hbm>>) target(%dma_start3A_205 : memref<1x20xf32, #tpu.memory_space<vmem>>) target_semaphore(%arg16 : memref<!tpu.dma_semaphore, #tpu.memory_space<semaphore_mem>>)
        %slice3A_208 = vector.extract_strided_slice %get3A_63 {offsets = [6], sizes = [1], strides = [1]} : vector<16xi32> to vector<1xi32>
        %squeeze3A_209 = vector.extract %slice3A_208[0] : i32 from vector<1xi32>
        %add3A_210 = arith.constant 6 : i32
        %add3A_211 = arith.addi %mul3A_61, %add3A_210 : i32
        %dma_start3A_212 = arith.constant 0 : i32
        %dma_start3A_213 = tpu.memref_slice %arg10[%add3A_211, %dma_start3A_212] : memref<128x20xf32, #tpu.memory_space<vmem>> -> memref<1x20xf32, #tpu.memory_space<vmem>>
        %dma_start3A_214 = arith.constant 0 : i32
        %dma_start3A_215 = tpu.memref_slice %arg5[%squeeze3A_209, %dma_start3A_214] : memref<1000000x20xf32, #tpu.memory_space<hbm>> -> memref<1x20xf32, #tpu.memory_space<hbm>>
        %dma_start3A_216 = arith.constant 0 : i32
        %dma_start3A_217 = tpu.memref_slice %arg10[%add3A_211, %dma_start3A_216] : memref<128x20xf32, #tpu.memory_space<vmem>> -> memref<1x20xf32, #tpu.memory_space<vmem>>
        %dma_start3A_218 = arith.constant 0 : i32
        %dma_start3A_219 = tpu.memref_slice %arg5[%squeeze3A_209, %dma_start3A_218] : memref<1000000x20xf32, #tpu.memory_space<hbm>> -> memref<1x20xf32, #tpu.memory_space<hbm>>
        tpu.enqueue_dma source(%dma_start3A_219 : memref<1x20xf32, #tpu.memory_space<hbm>>) target(%dma_start3A_217 : memref<1x20xf32, #tpu.memory_space<vmem>>) target_semaphore(%arg16 : memref<!tpu.dma_semaphore, #tpu.memory_space<semaphore_mem>>)
        %slice3A_220 = vector.extract_strided_slice %get3A_65 {offsets = [6], sizes = [1], strides = [1]} : vector<16xi32> to vector<1xi32>
        %squeeze3A_221 = vector.extract %slice3A_220[0] : i32 from vector<1xi32>
        %add3A_222 = arith.constant 6 : i32
        %add3A_223 = arith.addi %mul3A_61, %add3A_222 : i32
        %dma_start3A_224 = arith.constant 0 : i32
        %dma_start3A_225 = tpu.memref_slice %arg11[%add3A_223, %dma_start3A_224] : memref<128x20xf32, #tpu.memory_space<vmem>> -> memref<1x20xf32, #tpu.memory_space<vmem>>
        %dma_start3A_226 = arith.constant 0 : i32
        %dma_start3A_227 = tpu.memref_slice %arg5[%squeeze3A_221, %dma_start3A_226] : memref<1000000x20xf32, #tpu.memory_space<hbm>> -> memref<1x20xf32, #tpu.memory_space<hbm>>
        %dma_start3A_228 = arith.constant 0 : i32
        %dma_start3A_229 = tpu.memref_slice %arg11[%add3A_223, %dma_start3A_228] : memref<128x20xf32, #tpu.memory_space<vmem>> -> memref<1x20xf32, #tpu.memory_space<vmem>>
        %dma_start3A_230 = arith.constant 0 : i32
        %dma_start3A_231 = tpu.memref_slice %arg5[%squeeze3A_221, %dma_start3A_230] : memref<1000000x20xf32, #tpu.memory_space<hbm>> -> memref<1x20xf32, #tpu.memory_space<hbm>>
        tpu.enqueue_dma source(%dma_start3A_231 : memref<1x20xf32, #tpu.memory_space<hbm>>) target(%dma_start3A_229 : memref<1x20xf32, #tpu.memory_space<vmem>>) target_semaphore(%arg16 : memref<!tpu.dma_semaphore, #tpu.memory_space<semaphore_mem>>)
        %slice3A_232 = vector.extract_strided_slice %get3A_63 {offsets = [7], sizes = [1], strides = [1]} : vector<16xi32> to vector<1xi32>
        %squeeze3A_233 = vector.extract %slice3A_232[0] : i32 from vector<1xi32>
        %add3A_234 = arith.constant 7 : i32
        %add3A_235 = arith.addi %mul3A_61, %add3A_234 : i32
        %dma_start3A_236 = arith.constant 0 : i32
        %dma_start3A_237 = tpu.memref_slice %arg10[%add3A_235, %dma_start3A_236] : memref<128x20xf32, #tpu.memory_space<vmem>> -> memref<1x20xf32, #tpu.memory_space<vmem>>
        %dma_start3A_238 = arith.constant 0 : i32
        %dma_start3A_239 = tpu.memref_slice %arg5[%squeeze3A_233, %dma_start3A_238] : memref<1000000x20xf32, #tpu.memory_space<hbm>> -> memref<1x20xf32, #tpu.memory_space<hbm>>
        %dma_start3A_240 = arith.constant 0 : i32
        %dma_start3A_241 = tpu.memref_slice %arg10[%add3A_235, %dma_start3A_240] : memref<128x20xf32, #tpu.memory_space<vmem>> -> memref<1x20xf32, #tpu.memory_space<vmem>>
        %dma_start3A_242 = arith.constant 0 : i32
        %dma_start3A_243 = tpu.memref_slice %arg5[%squeeze3A_233, %dma_start3A_242] : memref<1000000x20xf32, #tpu.memory_space<hbm>> -> memref<1x20xf32, #tpu.memory_space<hbm>>
        tpu.enqueue_dma source(%dma_start3A_243 : memref<1x20xf32, #tpu.memory_space<hbm>>) target(%dma_start3A_241 : memref<1x20xf32, #tpu.memory_space<vmem>>) target_semaphore(%arg16 : memref<!tpu.dma_semaphore, #tpu.memory_space<semaphore_mem>>)
        %slice3A_244 = vector.extract_strided_slice %get3A_65 {offsets = [7], sizes = [1], strides = [1]} : vector<16xi32> to vector<1xi32>
        %squeeze3A_245 = vector.extract %slice3A_244[0] : i32 from vector<1xi32>
        %add3A_246 = arith.constant 7 : i32
        %add3A_247 = arith.addi %mul3A_61, %add3A_246 : i32
        %dma_start3A_248 = arith.constant 0 : i32
        %dma_start3A_249 = tpu.memref_slice %arg11[%add3A_247, %dma_start3A_248] : memref<128x20xf32, #tpu.memory_space<vmem>> -> memref<1x20xf32, #tpu.memory_space<vmem>>
        %dma_start3A_250 = arith.constant 0 : i32
        %dma_start3A_251 = tpu.memref_slice %arg5[%squeeze3A_245, %dma_start3A_250] : memref<1000000x20xf32, #tpu.memory_space<hbm>> -> memref<1x20xf32, #tpu.memory_space<hbm>>
        %dma_start3A_252 = arith.constant 0 : i32
        %dma_start3A_253 = tpu.memref_slice %arg11[%add3A_247, %dma_start3A_252] : memref<128x20xf32, #tpu.memory_space<vmem>> -> memref<1x20xf32, #tpu.memory_space<vmem>>
        %dma_start3A_254 = arith.constant 0 : i32
        %dma_start3A_255 = tpu.memref_slice %arg5[%squeeze3A_245, %dma_start3A_254] : memref<1000000x20xf32, #tpu.memory_space<hbm>> -> memref<1x20xf32, #tpu.memory_space<hbm>>
        tpu.enqueue_dma source(%dma_start3A_255 : memref<1x20xf32, #tpu.memory_space<hbm>>) target(%dma_start3A_253 : memref<1x20xf32, #tpu.memory_space<vmem>>) target_semaphore(%arg16 : memref<!tpu.dma_semaphore, #tpu.memory_space<semaphore_mem>>)
        %slice3A_256 = vector.extract_strided_slice %get3A_63 {offsets = [8], sizes = [1], strides = [1]} : vector<16xi32> to vector<1xi32>
        %squeeze3A_257 = vector.extract %slice3A_256[0] : i32 from vector<1xi32>
        %add3A_258 = arith.constant 8 : i32
        %add3A_259 = arith.addi %mul3A_61, %add3A_258 : i32
        %dma_start3A_260 = arith.constant 0 : i32
        %dma_start3A_261 = tpu.memref_slice %arg10[%add3A_259, %dma_start3A_260] : memref<128x20xf32, #tpu.memory_space<vmem>> -> memref<1x20xf32, #tpu.memory_space<vmem>>
        %dma_start3A_262 = arith.constant 0 : i32
        %dma_start3A_263 = tpu.memref_slice %arg5[%squeeze3A_257, %dma_start3A_262] : memref<1000000x20xf32, #tpu.memory_space<hbm>> -> memref<1x20xf32, #tpu.memory_space<hbm>>
        %dma_start3A_264 = arith.constant 0 : i32
        %dma_start3A_265 = tpu.memref_slice %arg10[%add3A_259, %dma_start3A_264] : memref<128x20xf32, #tpu.memory_space<vmem>> -> memref<1x20xf32, #tpu.memory_space<vmem>>
        %dma_start3A_266 = arith.constant 0 : i32
        %dma_start3A_267 = tpu.memref_slice %arg5[%squeeze3A_257, %dma_start3A_266] : memref<1000000x20xf32, #tpu.memory_space<hbm>> -> memref<1x20xf32, #tpu.memory_space<hbm>>
        tpu.enqueue_dma source(%dma_start3A_267 : memref<1x20xf32, #tpu.memory_space<hbm>>) target(%dma_start3A_265 : memref<1x20xf32, #tpu.memory_space<vmem>>) target_semaphore(%arg16 : memref<!tpu.dma_semaphore, #tpu.memory_space<semaphore_mem>>)
        %slice3A_268 = vector.extract_strided_slice %get3A_65 {offsets = [8], sizes = [1], strides = [1]} : vector<16xi32> to vector<1xi32>
        %squeeze3A_269 = vector.extract %slice3A_268[0] : i32 from vector<1xi32>
        %add3A_270 = arith.constant 8 : i32
        %add3A_271 = arith.addi %mul3A_61, %add3A_270 : i32
        %dma_start3A_272 = arith.constant 0 : i32
        %dma_start3A_273 = tpu.memref_slice %arg11[%add3A_271, %dma_start3A_272] : memref<128x20xf32, #tpu.memory_space<vmem>> -> memref<1x20xf32, #tpu.memory_space<vmem>>
        %dma_start3A_274 = arith.constant 0 : i32
        %dma_start3A_275 = tpu.memref_slice %arg5[%squeeze3A_269, %dma_start3A_274] : memref<1000000x20xf32, #tpu.memory_space<hbm>> -> memref<1x20xf32, #tpu.memory_space<hbm>>
        %dma_start3A_276 = arith.constant 0 : i32
        %dma_start3A_277 = tpu.memref_slice %arg11[%add3A_271, %dma_start3A_276] : memref<128x20xf32, #tpu.memory_space<vmem>> -> memref<1x20xf32, #tpu.memory_space<vmem>>
        %dma_start3A_278 = arith.constant 0 : i32
        %dma_start3A_279 = tpu.memref_slice %arg5[%squeeze3A_269, %dma_start3A_278] : memref<1000000x20xf32, #tpu.memory_space<hbm>> -> memref<1x20xf32, #tpu.memory_space<hbm>>
        tpu.enqueue_dma source(%dma_start3A_279 : memref<1x20xf32, #tpu.memory_space<hbm>>) target(%dma_start3A_277 : memref<1x20xf32, #tpu.memory_space<vmem>>) target_semaphore(%arg16 : memref<!tpu.dma_semaphore, #tpu.memory_space<semaphore_mem>>)
        %slice3A_280 = vector.extract_strided_slice %get3A_63 {offsets = [9], sizes = [1], strides = [1]} : vector<16xi32> to vector<1xi32>
        %squeeze3A_281 = vector.extract %slice3A_280[0] : i32 from vector<1xi32>
        %add3A_282 = arith.constant 9 : i32
        %add3A_283 = arith.addi %mul3A_61, %add3A_282 : i32
        %dma_start3A_284 = arith.constant 0 : i32
        %dma_start3A_285 = tpu.memref_slice %arg10[%add3A_283, %dma_start3A_284] : memref<128x20xf32, #tpu.memory_space<vmem>> -> memref<1x20xf32, #tpu.memory_space<vmem>>
        %dma_start3A_286 = arith.constant 0 : i32
        %dma_start3A_287 = tpu.memref_slice %arg5[%squeeze3A_281, %dma_start3A_286] : memref<1000000x20xf32, #tpu.memory_space<hbm>> -> memref<1x20xf32, #tpu.memory_space<hbm>>
        %dma_start3A_288 = arith.constant 0 : i32
        %dma_start3A_289 = tpu.memref_slice %arg10[%add3A_283, %dma_start3A_288] : memref<128x20xf32, #tpu.memory_space<vmem>> -> memref<1x20xf32, #tpu.memory_space<vmem>>
        %dma_start3A_290 = arith.constant 0 : i32
        %dma_start3A_291 = tpu.memref_slice %arg5[%squeeze3A_281, %dma_start3A_290] : memref<1000000x20xf32, #tpu.memory_space<hbm>> -> memref<1x20xf32, #tpu.memory_space<hbm>>
        tpu.enqueue_dma source(%dma_start3A_291 : memref<1x20xf32, #tpu.memory_space<hbm>>) target(%dma_start3A_289 : memref<1x20xf32, #tpu.memory_space<vmem>>) target_semaphore(%arg16 : memref<!tpu.dma_semaphore, #tpu.memory_space<semaphore_mem>>)
        %slice3A_292 = vector.extract_strided_slice %get3A_65 {offsets = [9], sizes = [1], strides = [1]} : vector<16xi32> to vector<1xi32>
        %squeeze3A_293 = vector.extract %slice3A_292[0] : i32 from vector<1xi32>
        %add3A_294 = arith.constant 9 : i32
        %add3A_295 = arith.addi %mul3A_61, %add3A_294 : i32
        %dma_start3A_296 = arith.constant 0 : i32
        %dma_start3A_297 = tpu.memref_slice %arg11[%add3A_295, %dma_start3A_296] : memref<128x20xf32, #tpu.memory_space<vmem>> -> memref<1x20xf32, #tpu.memory_space<vmem>>
        %dma_start3A_298 = arith.constant 0 : i32
        %dma_start3A_299 = tpu.memref_slice %arg5[%squeeze3A_293, %dma_start3A_298] : memref<1000000x20xf32, #tpu.memory_space<hbm>> -> memref<1x20xf32, #tpu.memory_space<hbm>>
        %dma_start3A_300 = arith.constant 0 : i32
        %dma_start3A_301 = tpu.memref_slice %arg11[%add3A_295, %dma_start3A_300] : memref<128x20xf32, #tpu.memory_space<vmem>> -> memref<1x20xf32, #tpu.memory_space<vmem>>
        %dma_start3A_302 = arith.constant 0 : i32
        %dma_start3A_303 = tpu.memref_slice %arg5[%squeeze3A_293, %dma_start3A_302] : memref<1000000x20xf32, #tpu.memory_space<hbm>> -> memref<1x20xf32, #tpu.memory_space<hbm>>
        tpu.enqueue_dma source(%dma_start3A_303 : memref<1x20xf32, #tpu.memory_space<hbm>>) target(%dma_start3A_301 : memref<1x20xf32, #tpu.memory_space<vmem>>) target_semaphore(%arg16 : memref<!tpu.dma_semaphore, #tpu.memory_space<semaphore_mem>>)
        %slice3A_304 = vector.extract_strided_slice %get3A_63 {offsets = [10], sizes = [1], strides = [1]} : vector<16xi32> to vector<1xi32>
        %squeeze3A_305 = vector.extract %slice3A_304[0] : i32 from vector<1xi32>
        %add3A_306 = arith.constant 10 : i32
        %add3A_307 = arith.addi %mul3A_61, %add3A_306 : i32
        %dma_start3A_308 = arith.constant 0 : i32
        %dma_start3A_309 = tpu.memref_slice %arg10[%add3A_307, %dma_start3A_308] : memref<128x20xf32, #tpu.memory_space<vmem>> -> memref<1x20xf32, #tpu.memory_space<vmem>>
        %dma_start3A_310 = arith.constant 0 : i32
        %dma_start3A_311 = tpu.memref_slice %arg5[%squeeze3A_305, %dma_start3A_310] : memref<1000000x20xf32, #tpu.memory_space<hbm>> -> memref<1x20xf32, #tpu.memory_space<hbm>>
        %dma_start3A_312 = arith.constant 0 : i32
        %dma_start3A_313 = tpu.memref_slice %arg10[%add3A_307, %dma_start3A_312] : memref<128x20xf32, #tpu.memory_space<vmem>> -> memref<1x20xf32, #tpu.memory_space<vmem>>
        %dma_start3A_314 = arith.constant 0 : i32
        %dma_start3A_315 = tpu.memref_slice %arg5[%squeeze3A_305, %dma_start3A_314] : memref<1000000x20xf32, #tpu.memory_space<hbm>> -> memref<1x20xf32, #tpu.memory_space<hbm>>
        tpu.enqueue_dma source(%dma_start3A_315 : memref<1x20xf32, #tpu.memory_space<hbm>>) target(%dma_start3A_313 : memref<1x20xf32, #tpu.memory_space<vmem>>) target_semaphore(%arg16 : memref<!tpu.dma_semaphore, #tpu.memory_space<semaphore_mem>>)
        %slice3A_316 = vector.extract_strided_slice %get3A_65 {offsets = [10], sizes = [1], strides = [1]} : vector<16xi32> to vector<1xi32>
        %squeeze3A_317 = vector.extract %slice3A_316[0] : i32 from vector<1xi32>
        %add3A_318 = arith.constant 10 : i32
        %add3A_319 = arith.addi %mul3A_61, %add3A_318 : i32
        %dma_start3A_320 = arith.constant 0 : i32
        %dma_start3A_321 = tpu.memref_slice %arg11[%add3A_319, %dma_start3A_320] : memref<128x20xf32, #tpu.memory_space<vmem>> -> memref<1x20xf32, #tpu.memory_space<vmem>>
        %dma_start3A_322 = arith.constant 0 : i32
        %dma_start3A_323 = tpu.memref_slice %arg5[%squeeze3A_317, %dma_start3A_322] : memref<1000000x20xf32, #tpu.memory_space<hbm>> -> memref<1x20xf32, #tpu.memory_space<hbm>>
        %dma_start3A_324 = arith.constant 0 : i32
        %dma_start3A_325 = tpu.memref_slice %arg11[%add3A_319, %dma_start3A_324] : memref<128x20xf32, #tpu.memory_space<vmem>> -> memref<1x20xf32, #tpu.memory_space<vmem>>
        %dma_start3A_326 = arith.constant 0 : i32
        %dma_start3A_327 = tpu.memref_slice %arg5[%squeeze3A_317, %dma_start3A_326] : memref<1000000x20xf32, #tpu.memory_space<hbm>> -> memref<1x20xf32, #tpu.memory_space<hbm>>
        tpu.enqueue_dma source(%dma_start3A_327 : memref<1x20xf32, #tpu.memory_space<hbm>>) target(%dma_start3A_325 : memref<1x20xf32, #tpu.memory_space<vmem>>) target_semaphore(%arg16 : memref<!tpu.dma_semaphore, #tpu.memory_space<semaphore_mem>>)
        %slice3A_328 = vector.extract_strided_slice %get3A_63 {offsets = [11], sizes = [1], strides = [1]} : vector<16xi32> to vector<1xi32>
        %squeeze3A_329 = vector.extract %slice3A_328[0] : i32 from vector<1xi32>
        %add3A_330 = arith.constant 11 : i32
        %add3A_331 = arith.addi %mul3A_61, %add3A_330 : i32
        %dma_start3A_332 = arith.constant 0 : i32
        %dma_start3A_333 = tpu.memref_slice %arg10[%add3A_331, %dma_start3A_332] : memref<128x20xf32, #tpu.memory_space<vmem>> -> memref<1x20xf32, #tpu.memory_space<vmem>>
        %dma_start3A_334 = arith.constant 0 : i32
        %dma_start3A_335 = tpu.memref_slice %arg5[%squeeze3A_329, %dma_start3A_334] : memref<1000000x20xf32, #tpu.memory_space<hbm>> -> memref<1x20xf32, #tpu.memory_space<hbm>>
        %dma_start3A_336 = arith.constant 0 : i32
        %dma_start3A_337 = tpu.memref_slice %arg10[%add3A_331, %dma_start3A_336] : memref<128x20xf32, #tpu.memory_space<vmem>> -> memref<1x20xf32, #tpu.memory_space<vmem>>
        %dma_start3A_338 = arith.constant 0 : i32
        %dma_start3A_339 = tpu.memref_slice %arg5[%squeeze3A_329, %dma_start3A_338] : memref<1000000x20xf32, #tpu.memory_space<hbm>> -> memref<1x20xf32, #tpu.memory_space<hbm>>
        tpu.enqueue_dma source(%dma_start3A_339 : memref<1x20xf32, #tpu.memory_space<hbm>>) target(%dma_start3A_337 : memref<1x20xf32, #tpu.memory_space<vmem>>) target_semaphore(%arg16 : memref<!tpu.dma_semaphore, #tpu.memory_space<semaphore_mem>>)
        %slice3A_340 = vector.extract_strided_slice %get3A_65 {offsets = [11], sizes = [1], strides = [1]} : vector<16xi32> to vector<1xi32>
        %squeeze3A_341 = vector.extract %slice3A_340[0] : i32 from vector<1xi32>
        %add3A_342 = arith.constant 11 : i32
        %add3A_343 = arith.addi %mul3A_61, %add3A_342 : i32
        %dma_start3A_344 = arith.constant 0 : i32
        %dma_start3A_345 = tpu.memref_slice %arg11[%add3A_343, %dma_start3A_344] : memref<128x20xf32, #tpu.memory_space<vmem>> -> memref<1x20xf32, #tpu.memory_space<vmem>>
        %dma_start3A_346 = arith.constant 0 : i32
        %dma_start3A_347 = tpu.memref_slice %arg5[%squeeze3A_341, %dma_start3A_346] : memref<1000000x20xf32, #tpu.memory_space<hbm>> -> memref<1x20xf32, #tpu.memory_space<hbm>>
        %dma_start3A_348 = arith.constant 0 : i32
        %dma_start3A_349 = tpu.memref_slice %arg11[%add3A_343, %dma_start3A_348] : memref<128x20xf32, #tpu.memory_space<vmem>> -> memref<1x20xf32, #tpu.memory_space<vmem>>
        %dma_start3A_350 = arith.constant 0 : i32
        %dma_start3A_351 = tpu.memref_slice %arg5[%squeeze3A_341, %dma_start3A_350] : memref<1000000x20xf32, #tpu.memory_space<hbm>> -> memref<1x20xf32, #tpu.memory_space<hbm>>
        tpu.enqueue_dma source(%dma_start3A_351 : memref<1x20xf32, #tpu.memory_space<hbm>>) target(%dma_start3A_349 : memref<1x20xf32, #tpu.memory_space<vmem>>) target_semaphore(%arg16 : memref<!tpu.dma_semaphore, #tpu.memory_space<semaphore_mem>>)
        %slice3A_352 = vector.extract_strided_slice %get3A_63 {offsets = [12], sizes = [1], strides = [1]} : vector<16xi32> to vector<1xi32>
        %squeeze3A_353 = vector.extract %slice3A_352[0] : i32 from vector<1xi32>
        %add3A_354 = arith.constant 12 : i32
        %add3A_355 = arith.addi %mul3A_61, %add3A_354 : i32
        %dma_start3A_356 = arith.constant 0 : i32
        %dma_start3A_357 = tpu.memref_slice %arg10[%add3A_355, %dma_start3A_356] : memref<128x20xf32, #tpu.memory_space<vmem>> -> memref<1x20xf32, #tpu.memory_space<vmem>>
        %dma_start3A_358 = arith.constant 0 : i32
        %dma_start3A_359 = tpu.memref_slice %arg5[%squeeze3A_353, %dma_start3A_358] : memref<1000000x20xf32, #tpu.memory_space<hbm>> -> memref<1x20xf32, #tpu.memory_space<hbm>>
        %dma_start3A_360 = arith.constant 0 : i32
        %dma_start3A_361 = tpu.memref_slice %arg10[%add3A_355, %dma_start3A_360] : memref<128x20xf32, #tpu.memory_space<vmem>> -> memref<1x20xf32, #tpu.memory_space<vmem>>
        %dma_start3A_362 = arith.constant 0 : i32
        %dma_start3A_363 = tpu.memref_slice %arg5[%squeeze3A_353, %dma_start3A_362] : memref<1000000x20xf32, #tpu.memory_space<hbm>> -> memref<1x20xf32, #tpu.memory_space<hbm>>
        tpu.enqueue_dma source(%dma_start3A_363 : memref<1x20xf32, #tpu.memory_space<hbm>>) target(%dma_start3A_361 : memref<1x20xf32, #tpu.memory_space<vmem>>) target_semaphore(%arg16 : memref<!tpu.dma_semaphore, #tpu.memory_space<semaphore_mem>>)
        %slice3A_364 = vector.extract_strided_slice %get3A_65 {offsets = [12], sizes = [1], strides = [1]} : vector<16xi32> to vector<1xi32>
        %squeeze3A_365 = vector.extract %slice3A_364[0] : i32 from vector<1xi32>
        %add3A_366 = arith.constant 12 : i32
        %add3A_367 = arith.addi %mul3A_61, %add3A_366 : i32
        %dma_start3A_368 = arith.constant 0 : i32
        %dma_start3A_369 = tpu.memref_slice %arg11[%add3A_367, %dma_start3A_368] : memref<128x20xf32, #tpu.memory_space<vmem>> -> memref<1x20xf32, #tpu.memory_space<vmem>>
        %dma_start3A_370 = arith.constant 0 : i32
        %dma_start3A_371 = tpu.memref_slice %arg5[%squeeze3A_365, %dma_start3A_370] : memref<1000000x20xf32, #tpu.memory_space<hbm>> -> memref<1x20xf32, #tpu.memory_space<hbm>>
        %dma_start3A_372 = arith.constant 0 : i32
        %dma_start3A_373 = tpu.memref_slice %arg11[%add3A_367, %dma_start3A_372] : memref<128x20xf32, #tpu.memory_space<vmem>> -> memref<1x20xf32, #tpu.memory_space<vmem>>
        %dma_start3A_374 = arith.constant 0 : i32
        %dma_start3A_375 = tpu.memref_slice %arg5[%squeeze3A_365, %dma_start3A_374] : memref<1000000x20xf32, #tpu.memory_space<hbm>> -> memref<1x20xf32, #tpu.memory_space<hbm>>
        tpu.enqueue_dma source(%dma_start3A_375 : memref<1x20xf32, #tpu.memory_space<hbm>>) target(%dma_start3A_373 : memref<1x20xf32, #tpu.memory_space<vmem>>) target_semaphore(%arg16 : memref<!tpu.dma_semaphore, #tpu.memory_space<semaphore_mem>>)
        %slice3A_376 = vector.extract_strided_slice %get3A_63 {offsets = [13], sizes = [1], strides = [1]} : vector<16xi32> to vector<1xi32>
        %squeeze3A_377 = vector.extract %slice3A_376[0] : i32 from vector<1xi32>
        %add3A_378 = arith.constant 13 : i32
        %add3A_379 = arith.addi %mul3A_61, %add3A_378 : i32
        %dma_start3A_380 = arith.constant 0 : i32
        %dma_start3A_381 = tpu.memref_slice %arg10[%add3A_379, %dma_start3A_380] : memref<128x20xf32, #tpu.memory_space<vmem>> -> memref<1x20xf32, #tpu.memory_space<vmem>>
        %dma_start3A_382 = arith.constant 0 : i32
        %dma_start3A_383 = tpu.memref_slice %arg5[%squeeze3A_377, %dma_start3A_382] : memref<1000000x20xf32, #tpu.memory_space<hbm>> -> memref<1x20xf32, #tpu.memory_space<hbm>>
        %dma_start3A_384 = arith.constant 0 : i32
        %dma_start3A_385 = tpu.memref_slice %arg10[%add3A_379, %dma_start3A_384] : memref<128x20xf32, #tpu.memory_space<vmem>> -> memref<1x20xf32, #tpu.memory_space<vmem>>
        %dma_start3A_386 = arith.constant 0 : i32
        %dma_start3A_387 = tpu.memref_slice %arg5[%squeeze3A_377, %dma_start3A_386] : memref<1000000x20xf32, #tpu.memory_space<hbm>> -> memref<1x20xf32, #tpu.memory_space<hbm>>
        tpu.enqueue_dma source(%dma_start3A_387 : memref<1x20xf32, #tpu.memory_space<hbm>>) target(%dma_start3A_385 : memref<1x20xf32, #tpu.memory_space<vmem>>) target_semaphore(%arg16 : memref<!tpu.dma_semaphore, #tpu.memory_space<semaphore_mem>>)
        %slice3A_388 = vector.extract_strided_slice %get3A_65 {offsets = [13], sizes = [1], strides = [1]} : vector<16xi32> to vector<1xi32>
        %squeeze3A_389 = vector.extract %slice3A_388[0] : i32 from vector<1xi32>
        %add3A_390 = arith.constant 13 : i32
        %add3A_391 = arith.addi %mul3A_61, %add3A_390 : i32
        %dma_start3A_392 = arith.constant 0 : i32
        %dma_start3A_393 = tpu.memref_slice %arg11[%add3A_391, %dma_start3A_392] : memref<128x20xf32, #tpu.memory_space<vmem>> -> memref<1x20xf32, #tpu.memory_space<vmem>>
        %dma_start3A_394 = arith.constant 0 : i32
        %dma_start3A_395 = tpu.memref_slice %arg5[%squeeze3A_389, %dma_start3A_394] : memref<1000000x20xf32, #tpu.memory_space<hbm>> -> memref<1x20xf32, #tpu.memory_space<hbm>>
        %dma_start3A_396 = arith.constant 0 : i32
        %dma_start3A_397 = tpu.memref_slice %arg11[%add3A_391, %dma_start3A_396] : memref<128x20xf32, #tpu.memory_space<vmem>> -> memref<1x20xf32, #tpu.memory_space<vmem>>
        %dma_start3A_398 = arith.constant 0 : i32
        %dma_start3A_399 = tpu.memref_slice %arg5[%squeeze3A_389, %dma_start3A_398] : memref<1000000x20xf32, #tpu.memory_space<hbm>> -> memref<1x20xf32, #tpu.memory_space<hbm>>
        tpu.enqueue_dma source(%dma_start3A_399 : memref<1x20xf32, #tpu.memory_space<hbm>>) target(%dma_start3A_397 : memref<1x20xf32, #tpu.memory_space<vmem>>) target_semaphore(%arg16 : memref<!tpu.dma_semaphore, #tpu.memory_space<semaphore_mem>>)
        %slice3A_400 = vector.extract_strided_slice %get3A_63 {offsets = [14], sizes = [1], strides = [1]} : vector<16xi32> to vector<1xi32>
        %squeeze3A_401 = vector.extract %slice3A_400[0] : i32 from vector<1xi32>
        %add3A_402 = arith.constant 14 : i32
        %add3A_403 = arith.addi %mul3A_61, %add3A_402 : i32
        %dma_start3A_404 = arith.constant 0 : i32
        %dma_start3A_405 = tpu.memref_slice %arg10[%add3A_403, %dma_start3A_404] : memref<128x20xf32, #tpu.memory_space<vmem>> -> memref<1x20xf32, #tpu.memory_space<vmem>>
        %dma_start3A_406 = arith.constant 0 : i32
        %dma_start3A_407 = tpu.memref_slice %arg5[%squeeze3A_401, %dma_start3A_406] : memref<1000000x20xf32, #tpu.memory_space<hbm>> -> memref<1x20xf32, #tpu.memory_space<hbm>>
        %dma_start3A_408 = arith.constant 0 : i32
        %dma_start3A_409 = tpu.memref_slice %arg10[%add3A_403, %dma_start3A_408] : memref<128x20xf32, #tpu.memory_space<vmem>> -> memref<1x20xf32, #tpu.memory_space<vmem>>
        %dma_start3A_410 = arith.constant 0 : i32
        %dma_start3A_411 = tpu.memref_slice %arg5[%squeeze3A_401, %dma_start3A_410] : memref<1000000x20xf32, #tpu.memory_space<hbm>> -> memref<1x20xf32, #tpu.memory_space<hbm>>
        tpu.enqueue_dma source(%dma_start3A_411 : memref<1x20xf32, #tpu.memory_space<hbm>>) target(%dma_start3A_409 : memref<1x20xf32, #tpu.memory_space<vmem>>) target_semaphore(%arg16 : memref<!tpu.dma_semaphore, #tpu.memory_space<semaphore_mem>>)
        %slice3A_412 = vector.extract_strided_slice %get3A_65 {offsets = [14], sizes = [1], strides = [1]} : vector<16xi32> to vector<1xi32>
        %squeeze3A_413 = vector.extract %slice3A_412[0] : i32 from vector<1xi32>
        %add3A_414 = arith.constant 14 : i32
        %add3A_415 = arith.addi %mul3A_61, %add3A_414 : i32
        %dma_start3A_416 = arith.constant 0 : i32
        %dma_start3A_417 = tpu.memref_slice %arg11[%add3A_415, %dma_start3A_416] : memref<128x20xf32, #tpu.memory_space<vmem>> -> memref<1x20xf32, #tpu.memory_space<vmem>>
        %dma_start3A_418 = arith.constant 0 : i32
        %dma_start3A_419 = tpu.memref_slice %arg5[%squeeze3A_413, %dma_start3A_418] : memref<1000000x20xf32, #tpu.memory_space<hbm>> -> memref<1x20xf32, #tpu.memory_space<hbm>>
        %dma_start3A_420 = arith.constant 0 : i32
        %dma_start3A_421 = tpu.memref_slice %arg11[%add3A_415, %dma_start3A_420] : memref<128x20xf32, #tpu.memory_space<vmem>> -> memref<1x20xf32, #tpu.memory_space<vmem>>
        %dma_start3A_422 = arith.constant 0 : i32
        %dma_start3A_423 = tpu.memref_slice %arg5[%squeeze3A_413, %dma_start3A_422] : memref<1000000x20xf32, #tpu.memory_space<hbm>> -> memref<1x20xf32, #tpu.memory_space<hbm>>
        tpu.enqueue_dma source(%dma_start3A_423 : memref<1x20xf32, #tpu.memory_space<hbm>>) target(%dma_start3A_421 : memref<1x20xf32, #tpu.memory_space<vmem>>) target_semaphore(%arg16 : memref<!tpu.dma_semaphore, #tpu.memory_space<semaphore_mem>>)
        %slice3A_424 = vector.extract_strided_slice %get3A_63 {offsets = [15], sizes = [1], strides = [1]} : vector<16xi32> to vector<1xi32>
        %squeeze3A_425 = vector.extract %slice3A_424[0] : i32 from vector<1xi32>
        %add3A_426 = arith.constant 15 : i32
        %add3A_427 = arith.addi %mul3A_61, %add3A_426 : i32
        %dma_start3A_428 = arith.constant 0 : i32
        %dma_start3A_429 = tpu.memref_slice %arg10[%add3A_427, %dma_start3A_428] : memref<128x20xf32, #tpu.memory_space<vmem>> -> memref<1x20xf32, #tpu.memory_space<vmem>>
        %dma_start3A_430 = arith.constant 0 : i32
        %dma_start3A_431 = tpu.memref_slice %arg5[%squeeze3A_425, %dma_start3A_430] : memref<1000000x20xf32, #tpu.memory_space<hbm>> -> memref<1x20xf32, #tpu.memory_space<hbm>>
        %dma_start3A_432 = arith.constant 0 : i32
        %dma_start3A_433 = tpu.memref_slice %arg10[%add3A_427, %dma_start3A_432] : memref<128x20xf32, #tpu.memory_space<vmem>> -> memref<1x20xf32, #tpu.memory_space<vmem>>
        %dma_start3A_434 = arith.constant 0 : i32
        %dma_start3A_435 = tpu.memref_slice %arg5[%squeeze3A_425, %dma_start3A_434] : memref<1000000x20xf32, #tpu.memory_space<hbm>> -> memref<1x20xf32, #tpu.memory_space<hbm>>
        tpu.enqueue_dma source(%dma_start3A_435 : memref<1x20xf32, #tpu.memory_space<hbm>>) target(%dma_start3A_433 : memref<1x20xf32, #tpu.memory_space<vmem>>) target_semaphore(%arg16 : memref<!tpu.dma_semaphore, #tpu.memory_space<semaphore_mem>>)
        %slice3A_436 = vector.extract_strided_slice %get3A_65 {offsets = [15], sizes = [1], strides = [1]} : vector<16xi32> to vector<1xi32>
        %squeeze3A_437 = vector.extract %slice3A_436[0] : i32 from vector<1xi32>
        %add3A_438 = arith.constant 15 : i32
        %add3A_439 = arith.addi %mul3A_61, %add3A_438 : i32
        %dma_start3A_440 = arith.constant 0 : i32
        %dma_start3A_441 = tpu.memref_slice %arg11[%add3A_439, %dma_start3A_440] : memref<128x20xf32, #tpu.memory_space<vmem>> -> memref<1x20xf32, #tpu.memory_space<vmem>>
        %dma_start3A_442 = arith.constant 0 : i32
        %dma_start3A_443 = tpu.memref_slice %arg5[%squeeze3A_437, %dma_start3A_442] : memref<1000000x20xf32, #tpu.memory_space<hbm>> -> memref<1x20xf32, #tpu.memory_space<hbm>>
        %dma_start3A_444 = arith.constant 0 : i32
        %dma_start3A_445 = tpu.memref_slice %arg11[%add3A_439, %dma_start3A_444] : memref<128x20xf32, #tpu.memory_space<vmem>> -> memref<1x20xf32, #tpu.memory_space<vmem>>
        %dma_start3A_446 = arith.constant 0 : i32
        %dma_start3A_447 = tpu.memref_slice %arg5[%squeeze3A_437, %dma_start3A_446] : memref<1000000x20xf32, #tpu.memory_space<hbm>> -> memref<1x20xf32, #tpu.memory_space<hbm>>
        tpu.enqueue_dma source(%dma_start3A_447 : memref<1x20xf32, #tpu.memory_space<hbm>>) target(%dma_start3A_445 : memref<1x20xf32, #tpu.memory_space<vmem>>) target_semaphore(%arg16 : memref<!tpu.dma_semaphore, #tpu.memory_space<semaphore_mem>>)
      }
      %scan3A_37 = arith.constant 8 : i32
      %dma_wait3A = arith.constant 0 : i32
      %dma_wait3A_38 = arith.constant 0 : i32
      %dma_wait3A_39 = tpu.memref_slice %arg5[%dma_wait3A, %dma_wait3A_38] : memref<1000000x20xf32, #tpu.memory_space<hbm>> -> memref<128x20xf32, #tpu.memory_space<hbm>>
      %dma_wait3A_40 = arith.constant 0 : i32
      %dma_wait3A_41 = arith.constant 0 : i32
      %dma_wait3A_42 = tpu.memref_slice %arg5[%dma_wait3A_40, %dma_wait3A_41] : memref<1000000x20xf32, #tpu.memory_space<hbm>> -> memref<128x20xf32, #tpu.memory_space<hbm>>
      tpu.wait_dma2 semaphore(%arg16 : memref<!tpu.dma_semaphore, #tpu.memory_space<semaphore_mem>>) src(%dma_wait3A_42 : memref<128x20xf32, #tpu.memory_space<hbm>>) dst(%arg10 : memref<128x20xf32, #tpu.memory_space<vmem>>)
      %dma_wait3A_43 = arith.constant 0 : i32
      %dma_wait3A_44 = arith.constant 0 : i32
      %dma_wait3A_45 = tpu.memref_slice %arg5[%dma_wait3A_43, %dma_wait3A_44] : memref<1000000x20xf32, #tpu.memory_space<hbm>> -> memref<128x20xf32, #tpu.memory_space<hbm>>
      %dma_wait3A_46 = arith.constant 0 : i32
      %dma_wait3A_47 = arith.constant 0 : i32
      %dma_wait3A_48 = tpu.memref_slice %arg5[%dma_wait3A_46, %dma_wait3A_47] : memref<1000000x20xf32, #tpu.memory_space<hbm>> -> memref<128x20xf32, #tpu.memory_space<hbm>>
      tpu.wait_dma2 semaphore(%arg16 : memref<!tpu.dma_semaphore, #tpu.memory_space<semaphore_mem>>) src(%dma_wait3A_48 : memref<128x20xf32, #tpu.memory_space<hbm>>) dst(%arg11 : memref<128x20xf32, #tpu.memory_space<vmem>>)
      %dma_wait3A_49 = arith.constant 0 : i32
      %dma_wait3A_50 = tpu.memref_slice %arg4[%dma_wait3A_49] : memref<1000000xf32, #tpu.memory_space<hbm>> -> memref<1000000xf32, #tpu.memory_space<hbm>>
      tpu.wait_indirect_dma semaphore(%arg17 : memref<!tpu.dma_semaphore, #tpu.memory_space<semaphore_mem>>) src(%dma_wait3A_50 : memref<1000000xf32, #tpu.memory_space<hbm>>) dst(%arg12 : memref<128xf32, #tpu.memory_space<vmem>>)
      %dma_wait3A_51 = arith.constant 0 : i32
      %dma_wait3A_52 = tpu.memref_slice %arg4[%dma_wait3A_51] : memref<1000000xf32, #tpu.memory_space<hbm>> -> memref<1000000xf32, #tpu.memory_space<hbm>>
      tpu.wait_indirect_dma semaphore(%arg17 : memref<!tpu.dma_semaphore, #tpu.memory_space<semaphore_mem>>) src(%dma_wait3A_52 : memref<1000000xf32, #tpu.memory_space<hbm>>) dst(%arg13 : memref<128xf32, #tpu.memory_space<vmem>>)
      %scan3A_53 = arith.constant 0 : i32
      %scan3A_54 = arith.constant 0 : i32
      %scan3A_55 = arith.constant 8 : i32
      %scan3A_56 = arith.addi %scan3A_54, %scan3A_55 : i32
      %scan3A_57 = arith.constant 1 : i32
      scf.for %scan3A_59 = %scan3A_54 to %scan3A_56 step %scan3A_57  : i32 {
        %mul3A_60 = arith.constant 16 : i32
        %mul3A_61 = arith.muli %scan3A_59, %mul3A_60 : i32
        %add3A_62 = vector.broadcast %mul3A_61 : i32 to vector<16xi32>
        %add3A_63 = arith.addi %iota3A, %add3A_62 : vector<16xi32>
        %get3A_64 = arith.index_cast %mul3A_61 : i32 to index
        %get3A_65 = tpu.vector_load %arg12[%get3A_64] {strides = array<i32>} : memref<128xf32, #tpu.memory_space<vmem>>, vector<16xf32>,
        %get3A_66 = arith.index_cast %mul3A_61 : i32 to index
        %get3A_67 = tpu.vector_load %arg13[%get3A_66] {strides = array<i32>} : memref<128xf32, #tpu.memory_space<vmem>>, vector<16xf32>,
        %add3A_68 = arith.addf %get3A_65, %get3A_67 : vector<16xf32>
        %add3A_69 = arith.addf %add3A_68, %gather3A_13 : vector<16xf32>
        %scan3A_70 = arith.constant 0 : i32
        %scan3A_71 = arith.constant 20 : i32
        %scan3A_72 = arith.addi %scan3A_70, %scan3A_71 : i32
        %scan3A_73 = arith.constant 1 : i32
        %scan3A_74 = scf.for %scan3A_77 = %scan3A_70 to %scan3A_72 step %scan3A_73 iter_args(%scan3A_78 = %add3A_69) -> (vector<16xf32>)  : i32 {
          %add3A_79 = vector.broadcast %scan3A_77 : i32 to vector<16xi32>
          %add3A_80 = arith.addi %broadcast_in_dim3A_3, %add3A_79 : vector<16xi32>
          %gather3A_81 = tpu.vector_load_idx %arg10[%add3A_63, %add3A_80] : memref<128x20xf32, #tpu.memory_space<vmem>>[vector<16xi32>, vector<16xi32>], vector<16xf32>,
          %add3A_82 = vector.broadcast %scan3A_77 : i32 to vector<16xi32>
          %add3A_83 = arith.addi %broadcast_in_dim3A_3, %add3A_82 : vector<16xi32>
          %gather3A_84 = tpu.vector_load_idx %arg11[%add3A_63, %add3A_83] : memref<128x20xf32, #tpu.memory_space<vmem>>[vector<16xi32>, vector<16xi32>], vector<16xf32>,
          %mul3A_85 = arith.mulf %gather3A_81, %gather3A_84 : vector<16xf32>
          %add3A_86 = arith.addf %scan3A_78, %mul3A_85 : vector<16xf32>
          scf.yield %add3A_86 : vector<16xf32>
        }
        %scan3A_75 = arith.constant 20 : i32
        %swap3A = arith.index_cast %mul3A_61 : i32 to index
        %swap3A_76 = tpu.vector_load %arg14[%swap3A] {strides = array<i32>} : memref<128xf32, #tpu.memory_space<vmem>>, vector<16xf32>,
        tpu.vector_store %arg14[%swap3A], %scan3A_74 {strides = array<i32>} : memref<128xf32, #tpu.memory_space<vmem>>, vector<16xf32>,
      }
      %scan3A_58 = arith.constant 8 : i32
      "tpu.region"() ({
        %run_scoped3A = tpu.sem_alloc : memref<!tpu.dma_semaphore, #tpu.memory_space<semaphore_mem>>
        %dma_start3A_59 = tpu.memref_slice %arg6[%add3A_22] : memref<16384xf32, #tpu.memory_space<hbm>> -> memref<128xf32, #tpu.memory_space<hbm>>
        %dma_start3A_60 = tpu.memref_slice %arg6[%add3A_22] : memref<16384xf32, #tpu.memory_space<hbm>> -> memref<128xf32, #tpu.memory_space<hbm>>
        tpu.enqueue_dma source(%arg14 : memref<128xf32, #tpu.memory_space<vmem>>) target(%dma_start3A_60 : memref<128xf32, #tpu.memory_space<hbm>>) target_semaphore(%run_scoped3A : memref<!tpu.dma_semaphore, #tpu.memory_space<semaphore_mem>>)
        %dma_wait3A_61 = tpu.memref_slice %arg6[%add3A_22] : memref<16384xf32, #tpu.memory_space<hbm>> -> memref<128xf32, #tpu.memory_space<hbm>>
        %dma_wait3A_62 = tpu.memref_slice %arg6[%add3A_22] : memref<16384xf32, #tpu.memory_space<hbm>> -> memref<128xf32, #tpu.memory_space<hbm>>
        tpu.wait_dma2 semaphore(%run_scoped3A : memref<!tpu.dma_semaphore, #tpu.memory_space<semaphore_mem>>) src(%arg14 : memref<128xf32, #tpu.memory_space<vmem>>) dst(%dma_wait3A_62 : memref<128xf32, #tpu.memory_space<hbm>>)
        tpu.yield
      }) : () -> ()
    }
    %scan3A_18 = arith.constant 4 : i32
    return
  }
}

</mosaic_0001>

<sc_bundles>
// kernel: kernel.3.cloned.1.call-start
scs
__scs_entry_jumppad:
0x0: {  	(pc) =	sbr.rel $0x88, $3  }
0x1: {  	(tag) =	ssettag $0x0;
	lr =	simm.s32 $0x1  }
0x2: {  	[smem:$0x3F9D] =	sst lr;
	_ =	strace $0xD0000000  }
0x3: {  	_ = 	snop  }
0x4: {  	_ = 	snop  }
0x5: {  	_ = 	snop  }
0x6: {  	_ = 	snop  }
0x7: {  	_ = 	snop  }
__scs_overlays_trampoline_lowered:
0x8: {  	[smem:$0x3FAC] =	sst s0  }
0x9: {  	[smem:$0x3FAD] =	sst s1  }
0xa: {  	[smem:$0x3FAE] =	sst s2  }
0xb: {  	[smem:$0x3FAF] =	sst s3  }
0xc: {  	[smem:$0x3FB0] =	sst s4  }
0xd: {  	[smem:$0x3FB1] =	sst s5  }
0xe: {  	[smem:$0x3FB2] =	sst s6  }
0xf: {  	[smem:$0x3FB3] =	sst s7  }
0x10: {  	[smem:$0x3FB4] =	sst s8  }
0x11: {  	[smem:$0x3FB5] =	sst s9;
	s0 =	simm.s32 @!p0 $0x0  }
0x12: {  	s1 =	sld [smem:$0x3F9B];
	s0 =	simm.s32 @p0 $0x1  }
0x13: {  	[smem:$0x3FB6] =	sst s0;
	s0 =	simm.s32 @!p1 $0x0  }
0x14: {  	s2 =	sld [smem:$0x3F9A];
	s0 =	simm.s32 @p1 $0x1  }
0x15: {  	[smem:$0x3FB7] =	sst s0;
	s0 =	simm.s32 @!p2 $0x0  }
0x16: {  	s3 =	sld [smem:$0x3FDB];
	s0 =	simm.s32 @p2 $0x1  }
0x17: {  	s4 =	simm.s32 $0x1BF5;
	[smem:$0x3FB9] =	sst s0  }
0x18: {  	s0 =	sld [smem:$0x3F9C];
	_ =	swait.ge [sflag:s4], $0x0  }
0x19: {  	s7 =	sld [smem:$0x3F9D]  }
0x1a: {  	s8 =	sadd.s32 $0xFFFFE003, lr  }
0x1b: {  	s9 =	sadd.s32 $0xFFFFFEF7, lr;
	s5 =	simm.s32 $0xFFFFFFFF;
	p2 =	slt.u32 s8, $0xFFFFF086  }
0x1c: {  	p1 =	slt.u32 s9, $0xF7A;
	s5 =	simm.s32 @!p2 $0x0  }
0x1d: {  	s5 =	simm.s32 @p1 $0x1;
	p0 =	seq.s32 s7, s2  }
0x1e: {  	s7 =	smul.u32 @!p0 $0xF7A, s2;
	p2 =	seq.s32 @!p0 s5, $0x0  }
0x1f: {  	s9 =	smul.u32 $0xF7A, s1;
	s8 =	simm.s32 @!p0 $0x1BF5;
	p2 =	por !p2, p0  }
0x20: {  	[sflag:s8] =	ssyncset.s32 @!p0 $0xFFFFF086;
	s6 =	sadd.s32 @!p0 s3, s7;
	s7 =	simm.s32 @!p0 $0x108  }
0x21: {  	s3 =	sadd.s32 s3, s9;
	s6 =	sadd.s32 @!p0 $0x88, s6;
	s7 =	simm.s32 @p2 $0x1082  }
0x22: {  	[simem:s7], [sflag:s8] =	dma.local @!p0 [hbm:s6], $0xF7A  }
0x23: {  	s9 =	sor.u32 $0xD0000000, s2;
	s6 =	simm.s32 $0x108;
	_ =	swait.ge @!p0 [sflag:s8], $0x0  }
0x24: {  	s3 =	sadd.s32 $0x88, s3;
	s6 =	simm.s32 @!p1 $0x1082;
	[sflag:s4] =	ssyncset.s32 $0xFFFFF086  }
0x25: {  	[simem:s6], [sflag:s4] =	dma.local [hbm:s3], $0xF7A  }
0x26: {  	[smem:$0x3F9D] =	sst s1;
	(tag) =	ssettag s2;
	_ =	strace s9  }
0x27: {  	s1 =	sld [smem:$0x3FAD]  }
0x28: {  	s2 =	sld [smem:$0x3FAE]  }
0x29: {  	s4 =	sld [smem:$0x3FB0]  }
0x2a: {  	p0 =	seq.s32 s5, $0x0;
	s5 =	sld [smem:$0x3FB1]  }
0x2b: {  	s6 =	sld [smem:$0x3FB2]  }
0x2c: {  	s7 =	sld [smem:$0x3FB3]  }
0x2d: {  	s3 =	simm.s32 $0x108;
	s8 =	sld [smem:$0x3FB4]  }
0x2e: {  	s3 =	simm.s32 @!p0 $0x1082;
	s9 =	sld [smem:$0x3FB5]  }
0x2f: {  	lr =	sadd.s32 s0, s3;
	s0 =	sld [smem:$0x3FAC]  }
0x30: {  	s3 =	sld [smem:$0x3FAF]  }
0x31: {  	[smem:$0x3FB8] =	sst s10  }
0x32: {  	s10 =	sld [smem:$0x3FB6];
	_ =	sdelay $0x3  }
0x33: {  	p0 =	seq.s32 s10, $0x1;
	s10 =	sld [smem:$0x3FB8];
	_ =	sdelay $0x3  }
0x34: {  	[smem:$0x3FB8] =	sst s10  }
0x35: {  	s10 =	sld [smem:$0x3FB7];
	_ =	sdelay $0x3  }
0x36: {  	p1 =	seq.s32 s10, $0x1;
	s10 =	sld [smem:$0x3FB8];
	_ =	sdelay $0x3  }
0x37: {  	[smem:$0x3FB8] =	sst s10  }
0x38: {  	s10 =	sld [smem:$0x3FB9]  }
0x39: {  	_ = 	snop;
	(pc) =	sbr.ind lr, $3  }
0x3a: {  	_ = 	snop  }
0x3b: {  	_ = 	snop  }
0x3c: {  	p2 =	seq.s32 s10, $0x1;
	s10 =	sld [smem:$0x3FB8]  }
0x3d: {  	_ =	shalt  }
0x3e: {  	_ =	shalt  }
0x3f: {  	_ =	shalt  }
0x40: {  	_ =	shalt  }
0x41: {  	_ =	shalt  }
0x42: {  	_ =	shalt  }
0x43: {  	_ =	shalt  }
0x44: {  	_ =	shalt  }
0x45: {  	_ =	shalt  }
0x46: {  	_ =	shalt  }
0x47: {  	_ =	shalt  }
0x48: {  	_ =	shalt  }
0x49: {  	_ =	shalt  }
0x4a: {  	_ =	shalt  }
0x4b: {  	_ =	shalt  }
0x4c: {  	_ =	shalt  }
0x4d: {  	_ =	shalt  }
0x4e: {  	_ =	shalt  }
0x4f: {  	_ =	shalt  }
0x50: {  	_ =	shalt  }
0x51: {  	_ =	shalt  }
0x52: {  	_ =	shalt  }
0x53: {  	_ =	shalt  }
0x54: {  	_ =	shalt  }
0x55: {  	_ =	shalt  }
0x56: {  	_ =	shalt  }
0x57: {  	_ =	shalt  }
0x58: {  	_ =	shalt  }
0x59: {  	_ =	shalt  }
0x5a: {  	_ =	shalt  }
0x5b: {  	_ =	shalt  }
0x5c: {  	_ =	shalt  }
0x5d: {  	_ =	shalt  }
0x5e: {  	_ =	shalt  }
0x5f: {  	_ =	shalt  }
0x60: {  	_ =	shalt  }
0x61: {  	_ =	shalt  }
0x62: {  	_ =	shalt  }
0x63: {  	_ =	shalt  }
0x64: {  	_ =	shalt  }
0x65: {  	_ =	shalt  }
0x66: {  	_ =	shalt  }
0x67: {  	_ =	shalt  }
0x68: {  	_ =	shalt  }
0x69: {  	_ =	shalt  }
0x6a: {  	_ =	shalt  }
0x6b: {  	_ =	shalt  }
0x6c: {  	_ =	shalt  }
0x6d: {  	_ =	shalt  }
0x6e: {  	_ =	shalt  }
0x6f: {  	_ =	shalt  }
0x70: {  	_ =	shalt  }
0x71: {  	_ =	shalt  }
0x72: {  	_ =	shalt  }
0x73: {  	_ =	shalt  }
0x74: {  	_ =	shalt  }
0x75: {  	_ =	shalt  }
0x76: {  	_ =	shalt  }
0x77: {  	_ =	shalt  }
0x78: {  	_ =	shalt  }
0x79: {  	_ =	shalt  }
0x7a: {  	_ =	shalt  }
0x7b: {  	_ =	shalt  }
0x7c: {  	_ =	shalt  }
0x7d: {  	_ =	shalt  }
0x7e: {  	_ =	shalt  }
0x7f: {  	_ =	shalt  }
0x80: {  	_ =	shalt  }
0x81: {  	_ =	shalt  }
0x82: {  	_ =	shalt  }
0x83: {  	_ =	shalt  }
0x84: {  	_ =	shalt  }
0x85: {  	_ =	shalt  }
0x86: {  	_ =	shalt  }
0x87: {  	_ =	shalt  }
.Lfunc_end0:
.L_simem_size_0:
called_computation_lowered:
.L_overlay_start_0:
0x88: {  	s2 =	sld [smem:$0x3FD9]  }
0x89: {  	s3 =	sld [smem:$0x3FFE];
	_ =	sdelay $0x1  }
0x8a: {  	s1 =	srdreg.scid  }
0x8b: {  	s0 =	sand.u32 $0x1, s1  }
0x8c: {  	s17 =	sshll.u32 s0, $0xA;
	s2 =	sadd.s32 s3, s2  }
0x8d: {  	s2 =	sadd.s32 s2, s17  }
0x8e: {  	[smem:$0x3FC4] =	sst s2  }
0x8f: {  	_ = 	snop  }
0x90: {  	s2 =	sld [smem:$0x3FC9]  }
0x91: {  	s18 =	sld [smem:$0x3FC8]  }
0x92: {  	s4 =	sld [smem:$0x3FC7]  }
0x93: {  	s5 =	sld [smem:$0x3FD0];
	(tm) =	ssettm $0x1  }
0x94: {  	s6 =	sld [smem:$0x3FFB];
	_ =	sdelay $0x3  }
0x95: {  	_ =	strace s6  }
0x96: {  	s6 =	sld [smem:$0x3FFC];
	_ =	sdelay $0x3  }
0x97: {  	_ =	strace s6  }
0x98: {  	s6 =	sld [smem:$0x3FFD];
	_ =	sdelay $0x3  }
0x99: {  	_ =	strace s6  }
0x9a: {  	_ =	strace $0x8FFFFFFF  }
0x9b: {  	s19 =	sld [smem:$0x3FDB];
	_ =	sdelay $0x1  }
0x9c: {  	s7 =	simm.s32 $_scs_section_size  }
0x9d: {  	s8 =	simm.s32 $_size__tile_overlayer_lowered;
	s9 =	simm.s32 $_tile_overlayer_lowered  }
0x9e: {  	s22 =	simm.s32 $0x1BFF;
	s21 =	sshll.u32 s9, $0x1;
	s6 =	sadd.s32 s7, s19  }
0x9f: {  	s10 =	simm.s32 $0x0;
	s20 =	sshll.u32 s8, $0x1;
	s8 =	sadd.s32 s21, s6  }
0xa0: {  	[timem:s10], [sflag:s22] =	dma.local [hbm:s8], s20  }
0xa1: {  	_ =	swait.ge [sflag:s22], s20  }
0xa2: {  	s7 =	ssub.s32 $0x0, s20;
	[sflag:s22] =	ssyncset.done $0x0  }
0xa3: {  	[sflag:s22] =	ssyncadd.s32 s7;
	_ =	sdelay $0x1  }
0xa4: {  	s23 =	simm.s32 $0x1B8B  }
0xa5: {  	_ =	swait.ge [sflag:s23], $0x1  }
0xa6: {  	[sflag:s23] =	ssyncset.done $0x0  }
0xa7: {  	s25 =	simm.s32 $0x1B8E;
	s24 =	sld [smem:$0x3FFE];
	[sflag:s23] =	ssyncadd.s32 $0xFFFFFFFF  }
0xa8: {  	s26 =	simm.s32 $execute0_lowered;
	[smem:$0x3FD2] =	sst s25  }
0xa9: {  	s8 =	sshll.u32 s26, $0x1;
	_ =	strace $0x80000046;
	[dreg:$0x1] =	wrdreg $0xFFFFFFFF  }
0xaa: {  	s28 =	simm.s32 $_size_execute0_lowered;
	s6 =	sadd.s32 s6, s8;
	[dreg:$0x0] =	wrdreg $0x0  }
0xab: {  	s8 =	sshll.u32 s28, $0x1;
	[dreg:$0x2] =	wrdreg s6  }
0xac: {  	[dreg:$0x3] =	wrdreg s8  }
0xad: {  	[dreg:$0x4] =	wrdreg $0xC0  }
0xae: {  	_ =	task [dreg:s10], $0x5FFFF  }
0xaf: {  	[dreg:$0x1] =	wrdreg $0xFFFFFFFF  }
0xb0: {  	[dreg:$0x0] =	wrdreg $0x60  }
0xb1: {  	[dreg:$0x2] =	wrdreg s2  }
0xb2: {  	[dreg:$0x3] =	wrdreg s18  }
0xb3: {  	[dreg:$0x4] =	wrdreg s4  }
0xb4: {  	[dreg:$0x5] =	wrdreg s24  }
0xb5: {  	[dreg:$0x6] =	wrdreg s5  }
0xb6: {  	[dreg:$0x7] =	wrdreg $0x9  }
0xb7: {  	_ =	task.clear_ibuf [dreg:s10], $0x8FFFF;
	_ =	strace $0x90000046  }
0xb8: {  	s29 =	simm.s32 $0x9;
	_ =	strace $0x80000048  }
0xb9: {  	_ =	swait.ge [sflag:s29], $0x1  }
0xba: {  	[sflag:s29] =	ssyncadd.s32 $0xFFFFFFFF  }
0xbb: {  	_ =	strace $0x90000048  }
0xbc: {  	_ =	sfence  }
0xbd: {  	s30 =	sld [smem:$0x0];
	_ =	sdelay $0x2  }
0xbe: {  	s31 =	sshll.u32 s1, $0xD;
	s1 =	sshrl.u32 s1, $0x2  }
0xbf: {  	s3 =	sand.u32 $0x4000, s31;
	s1 =	sadd.s32 s1, s30  }
0xc0: {  	s0 =	sor.u32 s3, s0;
	s1 =	sshll.u32 s1, $0x11  }
0xc1: {  	s0 =	sor.u32 s1, s0  }
0xc2: {  	s0 =	sadd.s32 $0x8F2B, s0  }
0xc3: {  	[sflag:s0] =	ssyncadd.remote.s32 $0x1  }
0xc4: {  	_ =	sfence.sel $0xFFFF  }
0xc5: {  	[dreg:$0x0] =	wrdreg $0xFFFFFFFF;
	(pc) =	sbr.abs _section_cstart, $3  }
0xc6: {  	[dreg:$0x1] =	wrdreg $0xFFFFFFFF  }
0xc7: {  	_ =	task.clear_ibuf [dreg:s10], $0x2FFFF;
	_ =	strace $0x9FFFFFFF  }
0xc8: {  	(tm) =	ssettm $0x7FFFFFFF  }
0xc9: {  	_ =	shalt  }
tec
execute0_lowered:
.L_overlay_start_1:
0x0: {  	(tag) =	ssettag $0x1  }
0x1: {  	s0 =	rddreg [dreg:$0x3];
	s5 =	simm.s32 $0x0;
	s1 =	srdreg.scid  }
0x2: {  	s4 =	stileid.u32;
	s17 =	simm.s32 $0x200;
	s1 =	sand.u32 $0x1, s1  }
0x3: {  	s18 =	simm.s32 $0x4200;
	[smem:$0x7FF] =	sst s5;
	s2 =	ssub.s32 $0x2, s1  }
0x4: {  	s4 =	sshll.u32 s4, $0x3;
	s1 =	sshll.u32 s1, $0x2;
	s3 =	sshrl.u32 s2, $0x1  }
0x5: {  	s7 =	sadd.s32 $0x400, s0;
	s1 =	sor.u32 s1, s4;
	s31 =	ssub.s32 s2, s3  }
0x6: {  	v1 =	vlaneseq.u32;
	_ =	strace $0x80000047;
	[dreg:$0x10] =	wrdreg s1;
	s0 =	smax.u32 s31, $0x1  }
0x7: {  	v0 =	vimm.s32 $0x0;
	v1 =	vmul.u32 $0x80, v1;
	s2 =	simm.s32 $0x3;
	s1 =	simm.s32 $0x0;
	[dreg:$0x11] =	wrdreg s0  }
.LBB2_1:
0x8: {  	[dreg:$0x12] =	wrdreg s1  }
0x9: {  	s0 =	rddreg [dreg:$0x1];
	s31 =	simm.s32 $0x8380  }
0xa: {  	[tilespmem:s31], [sflag:$0x3] =	stream.linear.gather [hbm4b:s0+s5], $0x1, $0x38;
	[tilespmem:$0x8400] =	vst v63  }
0xb: {  	_ =	swait.ge [sflag:s2], $0x1  }
0xc: {  	[sflag:s2] =	ssyncset.done $0x0  }
0xd: {  	[sflag:s2] =	ssyncadd.s32 $0xFFFFFFFF  }
0xe: {  	v2 =	vld [tilespmem:$0x8380];
	_ =	sdelay $0x4  }
0xf: {  	s1 =	simm.s32 $0x0;
	v2 =	vperm.xlane v2, v0  }
.LBB2_2:
0x10: {  	s0 =	rddreg [dreg:$0x10]  }
0x11: {  	s20 =	rddreg [dreg:$0x0];
	s0 =	sadd.s32 s0, s1  }
0x12: {  	[dreg:$0x14] =	wrdreg s0;
	s0 =	sshll.u32 s0, $0x5  }
0x13: {  	[dreg:$0x13] =	wrdreg s1;
	s21 =	simm.s32 $0x0;
	s0 =	sadd.s32 s20, s0  }
0x14: {  	[tilespmem:s21], [sflag:$0x3] =	stream.linear.gather [hbm4b:s0+s21], $0x100, $0x38;
	[tilespmem:$0x8400] =	vst v63  }
0x15: {  	_ =	swait.ge [sflag:s2], $0x100  }
0x16: {  	[sflag:s2] =	ssyncset.done $0x0  }
0x17: {  	[sflag:s2] =	ssyncadd.s32 $0xFFFFFF00  }
0x18: {  	v3 =	vld [tilespmem:$0x0]  }
0x19: {  	v4 =	vld [tilespmem:$0x80]  }
0x1a: {  	v5 =	vld [tilespmem:$0x10]  }
0x1b: {  	v6 =	vld [tilespmem:$0x90]  }
0x1c: {  	v7 =	vld [tilespmem:$0x20]  }
0x1d: {  	[tilespmem:$0x100] =	vst v3;
	v3 =	vld [tilespmem:$0xA0]  }
0x1e: {  	v55 =	vld [tilespmem:$0x30];
	[tilespmem:$0x180] =	vst v4  }
0x1f: {  	v56 =	vld [tilespmem:$0xB0];
	[tilespmem:$0x110] =	vst v5  }
0x20: {  	v57 =	vld [tilespmem:$0x40];
	[tilespmem:$0x190] =	vst v6  }
0x21: {  	v58 =	vld [tilespmem:$0xC0];
	[tilespmem:$0x120] =	vst v7  }
0x22: {  	[tilespmem:$0x1A0] =	vst v3;
	v3 =	vld [tilespmem:$0x50]  }
0x23: {  	v59 =	vld [tilespmem:$0xD0];
	[tilespmem:$0x130] =	vst v55  }
0x24: {  	v60 =	vld [tilespmem:$0x60];
	[tilespmem:$0x1B0] =	vst v56  }
0x25: {  	v61 =	vld [tilespmem:$0xE0];
	[tilespmem:$0x140] =	vst v57  }
0x26: {  	v62 =	vld [tilespmem:$0x70];
	[tilespmem:$0x1C0] =	vst v58  }
0x27: {  	[tilespmem:$0x150] =	vst v3;
	v3 =	vld [tilespmem:$0xF0]  }
0x28: {  	[tilespmem:$0x1D0] =	vst v59  }
0x29: {  	[tilespmem:$0x160] =	vst v60  }
0x2a: {  	[tilespmem:$0x1E0] =	vst v61  }
0x2b: {  	s22 =	simm.s32 $0x100;
	[tilespmem:$0x170] =	vst v62  }
0x2c: {  	s3 =	simm.s32 $0x80;
	s23 =	simm.s32 $0x8200;
	s2 =	rddreg [dreg:$0x2];
	[tilespmem:$0x1F0] =	vst v3  }
0x2d: {  	[tilespmem:s23], [sflag:$0x2] =	stream.indirect.gather [hbm4b:s2+s3], $0x1, s22, s3, $0xb8;
	[tilespmem:$0x8400] =	vst v63  }
0x2e: {  	s24 =	simm.s32 $0x180;
	s4 =	simm.s32 $0x8280  }
0x2f: {  	[tilespmem:s4], [sflag:$0x2] =	stream.indirect.gather [hbm4b:s2+s3], $0x1, s24, s3, $0xb8;
	[tilespmem:$0x8400] =	vst v63  }
0x30: {  	v3 =	vld [tilespmem:s22+$0x0]  }
0x31: {  	v5 =	vld [tilespmem:s24+$0x0];
	_ =	sdelay $0x3  }
0x32: {  	v63 =	vshll.u32 v3, $0x4  }
0x33: {  	v3 =	vshll.u32 v5, $0x4;
	(v2sf) =	vpush v63, $0x0  }
0x34: {  	(v2sf) =	vpush v3, $0x0  }
0x35: {  	(v2sf) =	vpush v63, $0x1;
	_ =	sdelay $0x2  }
0x36: {  	(v2sf) =	vpush v3, $0x1;
	_ =	sdelay $0x1  }
0x37: {  	(v2sf) =	vpush v63, $0x2;
	_ =	sdelay $0x1  }
0x38: {  	(v2sf) =	vpush v3, $0x2;
	_ =	sdelay $0x1  }
0x39: {  	s25 =	simm.s32 $0x4200;
	(v2sf) =	vpush v63, $0x3  }
0x3a: {  	s26 =	simm.s32 $0x200;
	s8 =	simm.s32 $0x400;
	s9 =	simm.s32 $0x380  }
0x3b: {  	s14 =	simm.s32 $0x4280;
	s16 =	simm.s32 $0x300;
	s29 =	simm.s32 $0x110  }
0x3c: {  	s30 =	simm.s32 $0x190;
	s0 =	simm.s32 $0x4700;
	s21 =	simm.s32 $0x4300  }
0x3d: {  	s23 =	simm.s32 $0x0;
	s2 =	simm.s32 $0x480;
	s6 =	spop (v2sf);
	(v2sf) =	vpush v3, $0x3  }
0x3e: {  	s3 =	simm.s32 $0x680;
	s6 =	sand.u32 $0x1FFFFFF0, s6;
	s10 =	spop (v2sf)  }
0x3f: {  	s4 =	simm.s32 $0x4380;
	(v2sf) =	vpush v63, $0x4;
	s6 =	sadd.s32 s7, s6;
	s31 =	spop (v2sf)  }
0x40: {  	(v2sf) =	vpush v3, $0x4;
	[tilespmem:s26], [sflag:$0x1] =	stream.linear.gather [hbm4b:s6+s5], $0x80, $0x38;
	[tilespmem:$0x8400] =	vst v63  }
0x41: {  	s24 =	simm.s32 $0x2000;
	s28 =	sand.u32 $0x1FFFFFF0, s10;
	s10 =	sand.u32 $0x1FFFFFF0, s31  }
0x42: {  	s6 =	sadd.s32 s7, s28;
	s11 =	spop (v2sf);
	(v2sf) =	vpush v63, $0x5;
	s12 =	sadd.s32 s7, s10  }
0x43: {  	(v2sf) =	vpush v3, $0x5;
	[tilespmem:s25], [sflag:$0x1] =	stream.linear.gather [hbm4b:s6+s5], $0x80, $0x38;
	[tilespmem:$0x8400] =	vst v63  }
0x44: {  	s13 =	sand.u32 $0x1FFFFFF0, s11;
	s15 =	spop (v2sf);
	s6 =	simm.s32 $0x280  }
0x45: {  	[tilespmem:s6], [sflag:$0x1] =	stream.linear.gather [hbm4b:s12+s5], $0x80, $0x38;
	[tilespmem:$0x8400] =	vst v63  }
0x46: {  	s10 =	sadd.s32 s7, s13;
	(v2sf) =	vpush v63, $0x6;
	s19 =	spop (v2sf);
	s6 =	sand.u32 $0x1FFFFFF0, s15  }
0x47: {  	[tilespmem:s14], [sflag:$0x1] =	stream.linear.gather [hbm4b:s10+s5], $0x80, $0x38;
	[tilespmem:$0x8400] =	vst v63  }
0x48: {  	s20 =	spop (v2sf);
	(v2sf) =	vpush v3, $0x6;
	s6 =	sadd.s32 s7, s6;
	s10 =	sand.u32 $0x1FFFFFF0, s19  }
0x49: {  	[tilespmem:s16], [sflag:$0x1] =	stream.linear.gather [hbm4b:s6+s5], $0x80, $0x38;
	[tilespmem:$0x8400] =	vst v63  }
0x4a: {  	s28 =	simm.s32 $0x4400;
	s25 =	sand.u32 $0x1FFFFFF0, s20;
	s22 =	sadd.s32 s7, s10  }
0x4b: {  	[tilespmem:s21], [sflag:$0x1] =	stream.linear.gather [hbm4b:s22+s5], $0x80, $0x38;
	[tilespmem:$0x8400] =	vst v63  }
0x4c: {  	s13 =	simm.s32 $0x4480;
	s10 =	sadd.s32 s7, s25;
	s26 =	spop (v2sf)  }
0x4d: {  	[tilespmem:s9], [sflag:$0x1] =	stream.linear.gather [hbm4b:s10+s5], $0x80, $0x38;
	[tilespmem:$0x8400] =	vst v63  }
0x4e: {  	s12 =	simm.s32 $0x4800;
	(v2sf) =	vpush v63, $0x7;
	s6 =	sand.u32 $0x1FFFFFF0, s26;
	s31 =	spop (v2sf)  }
0x4f: {  	s14 =	simm.s32 $0x880;
	s6 =	sadd.s32 s7, s6;
	s1 =	spop (v2sf)  }
0x50: {  	(v2sf) =	vpush v3, $0x7;
	[tilespmem:s4], [sflag:$0x1] =	stream.linear.gather [hbm4b:s6+s5], $0x80, $0x38;
	[tilespmem:$0x8400] =	vst v63  }
0x51: {  	s16 =	simm.s32 $0x500;
	s10 =	sand.u32 $0x1FFFFFF0, s31;
	(v2sf) =	vpush v63, $0x8;
	s15 =	spop (v2sf)  }
0x52: {  	s10 =	sadd.s32 s7, s10;
	s11 =	sand.u32 $0x1FFFFFF0, s1;
	s19 =	spop (v2sf)  }
0x53: {  	(v2sf) =	vpush v3, $0x8;
	[tilespmem:s8], [sflag:$0x1] =	stream.linear.gather [hbm4b:s10+s5], $0x80, $0x38;
	[tilespmem:$0x8400] =	vst v63  }
0x54: {  	s6 =	sadd.s32 s7, s11;
	(v2sf) =	vpush v63, $0x9;
	s8 =	sand.u32 $0x1FFFFFF0, s15;
	s9 =	sand.u32 $0x1FFFFFF0, s19  }
0x55: {  	s20 =	spop (v2sf);
	s19 =	simm.s32 $0x4880;
	s8 =	sadd.s32 s7, s8  }
0x56: {  	(v2sf) =	vpush v3, $0x9;
	[tilespmem:s28], [sflag:$0x1] =	stream.linear.gather [hbm4b:s6+s5], $0x80, $0x38;
	[tilespmem:$0x8400] =	vst v63  }
0x57: {  	s21 =	sadd.s32 s7, s9;
	s22 =	sand.u32 $0x1FFFFFF0, s20;
	s25 =	spop (v2sf)  }
0x58: {  	(v2sf) =	vpush v63, $0xA;
	[tilespmem:s2], [sflag:$0x1] =	stream.linear.gather [hbm4b:s8+s5], $0x80, $0x38;
	[tilespmem:$0x8400] =	vst v63  }
0x59: {  	s26 =	sadd.s32 s7, s22;
	s28 =	simm.s32 $0x4500;
	s4 =	sand.u32 $0x1FFFFFF0, s25  }
0x5a: {  	(v2sf) =	vpush v3, $0xA;
	[tilespmem:s13], [sflag:$0x1] =	stream.linear.gather [hbm4b:s21+s5], $0x80, $0x38;
	[tilespmem:$0x8400] =	vst v63  }
0x5b: {  	s6 =	simm.s32 $0x580;
	s22 =	simm.s32 $0x4600;
	s4 =	sadd.s32 s7, s4  }
0x5c: {  	[tilespmem:s16], [sflag:$0x1] =	stream.linear.gather [hbm4b:s26+s5], $0x80, $0x38;
	[tilespmem:$0x8400] =	vst v63  }
0x5d: {  	s2 =	simm.s32 $0x4780;
	s13 =	simm.s32 $0x4580;
	s31 =	spop (v2sf)  }
0x5e: {  	(v2sf) =	vpush v63, $0xB;
	[tilespmem:s28], [sflag:$0x1] =	stream.linear.gather [hbm4b:s4+s5], $0x80, $0x38;
	[tilespmem:$0x8400] =	vst v63  }
0x5f: {  	s16 =	simm.s32 $0x600;
	s8 =	sand.u32 $0x1FFFFFF0, s31;
	s1 =	spop (v2sf)  }
0x60: {  	s28 =	simm.s32 $0x4680;
	(v2sf) =	vpush v3, $0xB;
	s10 =	sadd.s32 s7, s8;
	s15 =	spop (v2sf)  }
0x61: {  	[tilespmem:s6], [sflag:$0x1] =	stream.linear.gather [hbm4b:s10+s5], $0x80, $0x38;
	[tilespmem:$0x8400] =	vst v63  }
0x62: {  	s11 =	sand.u32 $0x1FFFFFF0, s1;
	s1 =	simm.s32 $0x700;
	s20 =	spop (v2sf)  }
0x63: {  	s8 =	sadd.s32 s7, s11;
	s6 =	sand.u32 $0x1FFFFFF0, s15;
	s21 =	spop (v2sf)  }
0x64: {  	(v2sf) =	vpush v63, $0xC;
	[tilespmem:s13], [sflag:$0x1] =	stream.linear.gather [hbm4b:s8+s5], $0x80, $0x38;
	[tilespmem:$0x8400] =	vst v63  }
0x65: {  	s6 =	sadd.s32 s7, s6;
	s8 =	sand.u32 $0x1FFFFFF0, s20;
	s31 =	spop (v2sf)  }
0x66: {  	(v2sf) =	vpush v3, $0xC;
	[tilespmem:s16], [sflag:$0x1] =	stream.linear.gather [hbm4b:s6+s5], $0x80, $0x38;
	[tilespmem:$0x8400] =	vst v63  }
0x67: {  	s26 =	sand.u32 $0x1FFFFFF0, s21;
	s25 =	sadd.s32 s7, s8;
	s9 =	spop (v2sf)  }
0x68: {  	[tilespmem:s22], [sflag:$0x1] =	stream.linear.gather [hbm4b:s25+s5], $0x80, $0x38;
	[tilespmem:$0x8400] =	vst v63  }
0x69: {  	s8 =	sadd.s32 s7, s26;
	s6 =	sand.u32 $0x1FFFFFF0, s31;
	s10 =	spop (v2sf)  }
0x6a: {  	[tilespmem:s3], [sflag:$0x1] =	stream.linear.gather [hbm4b:s8+s5], $0x80, $0x38;
	[tilespmem:$0x8400] =	vst v63  }
0x6b: {  	s6 =	sadd.s32 s7, s6;
	s13 =	sand.u32 $0x1FFFFFF0, s10;
	s8 =	sand.u32 $0x1FFFFFF0, s9  }
0x6c: {  	[tilespmem:s28], [sflag:$0x1] =	stream.linear.gather [hbm4b:s6+s5], $0x80, $0x38;
	[tilespmem:$0x8400] =	vst v63  }
0x6d: {  	s16 =	sadd.s32 s7, s13;
	s11 =	sadd.s32 s7, s8;
	s15 =	spop (v2sf)  }
0x6e: {  	[tilespmem:s1], [sflag:$0x1] =	stream.linear.gather [hbm4b:s11+s5], $0x80, $0x38;
	[tilespmem:$0x8400] =	vst v63  }
0x6f: {  	s22 =	simm.s32 $0x780;
	s20 =	sand.u32 $0x1FFFFFF0, s15;
	s21 =	spop (v2sf)  }
0x70: {  	(v2sf) =	vpush v63, $0xD;
	[tilespmem:s0], [sflag:$0x1] =	stream.linear.gather [hbm4b:s16+s5], $0x80, $0x38;
	[tilespmem:$0x8400] =	vst v63  }
0x71: {  	s6 =	simm.s32 $0x800;
	(v2sf) =	vpush v3, $0xD;
	s25 =	sadd.s32 s7, s20;
	s26 =	sand.u32 $0x1FFFFFF0, s21  }
0x72: {  	(v2sf) =	vpush v63, $0xE;
	[tilespmem:s22], [sflag:$0x1] =	stream.linear.gather [hbm4b:s25+s5], $0x80, $0x38;
	[tilespmem:$0x8400] =	vst v63  }
0x73: {  	s15 =	simm.s32 $0x4900;
	s28 =	sadd.s32 s7, s26;
	(v2sf) =	vpush v3, $0xE;
	s31 =	spop (v2sf)  }
0x74: {  	(v2sf) =	vpush v63, $0xF;
	[tilespmem:s2], [sflag:$0x1] =	stream.linear.gather [hbm4b:s28+s5], $0x80, $0x38;
	[tilespmem:$0x8400] =	vst v63  }
0x75: {  	s0 =	simm.s32 $0x900;
	s3 =	spop (v2sf);
	(v2sf) =	vpush v3, $0xF;
	s2 =	sand.u32 $0x1FFFFFF0, s31  }
.LBB2_3:
0x76: {  	_ =	sdelay $0x4  }
0x77: {  	s2 =	sadd.s32 s7, s2;
	s3 =	sand.u32 $0x1FFFFFF0, s3  }
0x78: {  	[tilespmem:s6], [sflag:$0x1] =	stream.linear.gather [hbm4b:s2+s5], $0x80, $0x38;
	[tilespmem:$0x8400] =	vst v63  }
0x79: {  	s22 =	sadd.s32 s7, s3  }
0x7a: {  	[tilespmem:s12], [sflag:$0x1] =	stream.linear.gather [hbm4b:s22+s5], $0x80, $0x38;
	[tilespmem:$0x8400] =	vst v63  }
0x7b: {  	s4 =	spop (v2sf)  }
0x7c: {  	s25 =	sand.u32 $0x1FFFFFF0, s4;
	s26 =	spop (v2sf)  }
0x7d: {  	s1 =	sadd.s32 s7, s25;
	s28 =	sand.u32 $0x1FFFFFF0, s26;
	s31 =	spop (v2sf)  }
0x7e: {  	[tilespmem:s14], [sflag:$0x1] =	stream.linear.gather [hbm4b:s1+s5], $0x80, $0x38;
	[tilespmem:$0x8400] =	vst v63  }
0x7f: {  	s4 =	sadd.s32 s7, s28;
	s6 =	sand.u32 $0x1FFFFFF0, s31;
	s8 =	spop (v2sf)  }
0x80: {  	[tilespmem:s19], [sflag:$0x1] =	stream.linear.gather [hbm4b:s4+s5], $0x80, $0x38;
	[tilespmem:$0x8400] =	vst v63  }
0x81: {  	s9 =	sadd.s32 s7, s6;
	s10 =	sand.u32 $0x1FFFFFF0, s8;
	s11 =	spop (v2sf)  }
0x82: {  	[tilespmem:s0], [sflag:$0x1] =	stream.linear.gather [hbm4b:s9+s5], $0x80, $0x38;
	[tilespmem:$0x8400] =	vst v63  }
0x83: {  	s12 =	sadd.s32 s7, s10;
	s13 =	sand.u32 $0x1FFFFFF0, s11;
	s14 =	spop (v2sf)  }
0x84: {  	[tilespmem:s15], [sflag:$0x1] =	stream.linear.gather [hbm4b:s12+s5], $0x80, $0x38;
	[tilespmem:$0x8400] =	vst v63  }
0x85: {  	s16 =	sadd.s32 $0x980, s23;
	s1 =	sadd.s32 s7, s13;
	s2 =	sand.u32 $0x1FFFFFF0, s14  }
0x86: {  	[tilespmem:s16], [sflag:$0x1] =	stream.linear.gather [hbm4b:s1+s5], $0x80, $0x38;
	[tilespmem:$0x8400] =	vst v63  }
0x87: {  	s19 =	sadd.s32 $0x4980, s23;
	s20 =	sadd.s32 s7, s2  }
0x88: {  	[tilespmem:s19], [sflag:$0x1] =	stream.linear.gather [hbm4b:s20+s5], $0x80, $0x38;
	[tilespmem:$0x8400] =	vst v63  }
0x89: {  	v3 =	vld [tilespmem:s29+$0x0]  }
0x8a: {  	v5 =	vld [tilespmem:s30+$0x0];
	_ =	sdelay $0x3  }
0x8b: {  	v4 =	vshll.u32 v3, $0x4  }
0x8c: {  	s21 =	smov.u32 s24;
	v3 =	vshll.u32 v5, $0x4;
	(v2sf) =	vpush v4, $0x0  }
0x8d: {  	p0 =	sne.s32 s24, $0xE000;
	s23 =	sshra.s32 s21, $0x2;
	(v2sf) =	vpush v3, $0x0  }
0x8e: {  	s24 =	sadd.s32 $0x2000, s24;
	s22 =	sadd.s32 $0x680, s23;
	s11 =	sadd.s32 $0x400, s23;
	(v2sf) =	vpush v4, $0x1  }
0x8f: {  	s25 =	sadd.s32 $0x4700, s23;
	s21 =	sadd.s32 $0x4380, s23;
	s26 =	sadd.s32 $0x4800, s23  }
0x90: {  	s10 =	sadd.s32 $0x300, s23;
	s14 =	sadd.s32 $0x880, s23;
	[dreg:$0x8] =	wrdreg s22;
	(v2sf) =	vpush v3, $0x1  }
0x91: {  	s3 =	sadd.s32 $0x500, s23;
	s28 =	sadd.s32 $0x4780, s23;
	[dreg:$0x6] =	wrdreg s25  }
0x92: {  	s31 =	sadd.s32 $0x4680, s23;
	s4 =	sadd.s32 $0x700, s23;
	[dreg:$0xc] =	wrdreg s26;
	(v2sf) =	vpush v4, $0x2  }
0x93: {  	s8 =	sadd.s32 $0x580, s23;
	s6 =	sadd.s32 $0x4600, s23;
	[dreg:$0x7] =	wrdreg s28  }
0x94: {  	s13 =	sadd.s32 $0x4580, s23;
	s9 =	sadd.s32 $0x4200, s23;
	[dreg:$0xa] =	wrdreg s31;
	(v2sf) =	vpush v3, $0x2  }
0x95: {  	s0 =	sadd.s32 $0x480, s23;
	s25 =	sadd.s32 $0x380, s23;
	[dreg:$0x9] =	wrdreg s4  }
0x96: {  	s22 =	sadd.s32 $0x4400, s23;
	s2 =	sadd.s32 $0x4300, s23;
	[dreg:$0xb] =	wrdreg s6;
	(v2sf) =	vpush v4, $0x3  }
0x97: {  	s6 =	sadd.s32 $0x800, s23;
	s26 =	sadd.s32 $0x280, s23;
	[dreg:$0xf] =	wrdreg s13  }
0x98: {  	s4 =	sadd.s32 $0x780, s23;
	[dreg:$0xe] =	wrdreg s0;
	s15 =	sadd.s32 $0x600, s23;
	(v2sf) =	vpush v3, $0x3  }
0x99: {  	s0 =	sadd.s32 $0x900, s23;
	s12 =	sadd.s32 $0x4500, s23;
	[dreg:$0xd] =	wrdreg s15  }
0x9a: {  	s15 =	sadd.s32 $0x4900, s23;
	s1 =	sadd.s32 $0x200, s23;
	s16 =	sadd.s32 $0x4480, s23;
	(v2sf) =	vpush v4, $0x4  }
0x9b: {  	s20 =	sadd.s32 $0x4280, s23;
	s19 =	sadd.s32 $0x4880, s23;
	s28 =	spop (v2sf)  }
0x9c: {  	s29 =	sadd.s32 $0x10, s29;
	s28 =	sand.u32 $0x1FFFFFF0, s28;
	s13 =	spop (v2sf);
	(v2sf) =	vpush v3, $0x4  }
0x9d: {  	s28 =	sadd.s32 s7, s28;
	s13 =	sand.u32 $0x1FFFFFF0, s13;
	s31 =	spop (v2sf)  }
0x9e: {  	(v2sf) =	vpush v4, $0x5;
	[tilespmem:s1], [sflag:$0x1] =	stream.linear.gather [hbm4b:s28+s5], $0x80, $0x38;
	[tilespmem:$0x8400] =	vst v63  }
0x9f: {  	s1 =	sadd.s32 s7, s13;
	s13 =	sand.u32 $0x1FFFFFF0, s31;
	s31 =	spop (v2sf);
	(v2sf) =	vpush v3, $0x5  }
0xa0: {  	[tilespmem:s9], [sflag:$0x1] =	stream.linear.gather [hbm4b:s1+s5], $0x80, $0x38;
	[tilespmem:$0x8400] =	vst v63  }
0xa1: {  	s13 =	sadd.s32 s7, s13;
	s28 =	sand.u32 $0x1FFFFFF0, s31;
	s31 =	spop (v2sf);
	(v2sf) =	vpush v4, $0x6  }
0xa2: {  	[tilespmem:s26], [sflag:$0x1] =	stream.linear.gather [hbm4b:s13+s5], $0x80, $0x38;
	[tilespmem:$0x8400] =	vst v63  }
0xa3: {  	s26 =	sadd.s32 s7, s28;
	s28 =	sand.u32 $0x1FFFFFF0, s31;
	s31 =	spop (v2sf);
	(v2sf) =	vpush v3, $0x6  }
0xa4: {  	[tilespmem:s20], [sflag:$0x1] =	stream.linear.gather [hbm4b:s26+s5], $0x80, $0x38;
	[tilespmem:$0x8400] =	vst v63  }
0xa5: {  	s9 =	sadd.s32 s7, s28;
	s13 =	sand.u32 $0x1FFFFFF0, s31;
	s20 =	spop (v2sf);
	(v2sf) =	vpush v4, $0x7  }
0xa6: {  	[tilespmem:s10], [sflag:$0x1] =	stream.linear.gather [hbm4b:s9+s5], $0x80, $0x38;
	[tilespmem:$0x8400] =	vst v63  }
0xa7: {  	s26 =	sadd.s32 s7, s13;
	s28 =	sand.u32 $0x1FFFFFF0, s20;
	s31 =	spop (v2sf)  }
0xa8: {  	[tilespmem:s2], [sflag:$0x1] =	stream.linear.gather [hbm4b:s26+s5], $0x80, $0x38;
	[tilespmem:$0x8400] =	vst v63  }
0xa9: {  	(v2sf) =	vpush v3, $0x7;
	s9 =	sadd.s32 s7, s28;
	s13 =	sand.u32 $0x1FFFFFF0, s31;
	s20 =	spop (v2sf)  }
0xaa: {  	[tilespmem:s25], [sflag:$0x1] =	stream.linear.gather [hbm4b:s9+s5], $0x80, $0x38;
	[tilespmem:$0x8400] =	vst v63  }
0xab: {  	s30 =	sadd.s32 $0x10, s30;
	s26 =	sadd.s32 s7, s13;
	s31 =	spop (v2sf)  }
0xac: {  	(v2sf) =	vpush v4, $0x8;
	[tilespmem:s21], [sflag:$0x1] =	stream.linear.gather [hbm4b:s26+s5], $0x80, $0x38;
	[tilespmem:$0x8400] =	vst v63  }
0xad: {  	s28 =	sand.u32 $0x1FFFFFF0, s20;
	s10 =	sand.u32 $0x1FFFFFF0, s31;
	s13 =	spop (v2sf)  }
0xae: {  	s2 =	sadd.s32 s7, s28;
	(v2sf) =	vpush v3, $0x8;
	s20 =	sadd.s32 s7, s10;
	s25 =	spop (v2sf)  }
0xaf: {  	(v2sf) =	vpush v4, $0x9;
	[tilespmem:s11], [sflag:$0x1] =	stream.linear.gather [hbm4b:s2+s5], $0x80, $0x38;
	[tilespmem:$0x8400] =	vst v63  }
0xb0: {  	s21 =	sand.u32 $0x1FFFFFF0, s13;
	s10 =	rddreg [dreg:$0xe];
	s31 =	spop (v2sf)  }
0xb1: {  	(v2sf) =	vpush v3, $0x9;
	[tilespmem:s22], [sflag:$0x1] =	stream.linear.gather [hbm4b:s20+s5], $0x80, $0x38;
	[tilespmem:$0x8400] =	vst v63  }
0xb2: {  	s26 =	sadd.s32 s7, s21;
	s28 =	sand.u32 $0x1FFFFFF0, s25;
	s21 =	spop (v2sf)  }
0xb3: {  	[tilespmem:s10], [sflag:$0x1] =	stream.linear.gather [hbm4b:s26+s5], $0x80, $0x38;
	[tilespmem:$0x8400] =	vst v63  }
0xb4: {  	s13 =	sadd.s32 s7, s28;
	s20 =	sand.u32 $0x1FFFFFF0, s31;
	s26 =	spop (v2sf)  }
0xb5: {  	(v2sf) =	vpush v4, $0xA;
	[tilespmem:s16], [sflag:$0x1] =	stream.linear.gather [hbm4b:s13+s5], $0x80, $0x38;
	[tilespmem:$0x8400] =	vst v63  }
0xb6: {  	s22 =	sadd.s32 s7, s20;
	s25 =	sand.u32 $0x1FFFFFF0, s21;
	s31 =	sand.u32 $0x1FFFFFF0, s26  }
0xb7: {  	(v2sf) =	vpush v3, $0xA;
	[tilespmem:s3], [sflag:$0x1] =	stream.linear.gather [hbm4b:s22+s5], $0x80, $0x38;
	[tilespmem:$0x8400] =	vst v63  }
0xb8: {  	s10 =	sadd.s32 s7, s31;
	s31 =	rddreg [dreg:$0xd];
	s3 =	spop (v2sf)  }
0xb9: {  	(v2sf) =	vpush v4, $0xB;
	s28 =	sadd.s32 s7, s25;
	s22 =	rddreg [dreg:$0xf];
	s11 =	sand.u32 $0x1FFFFFF0, s3  }
0xba: {  	[tilespmem:s12], [sflag:$0x1] =	stream.linear.gather [hbm4b:s28+s5], $0x80, $0x38;
	[tilespmem:$0x8400] =	vst v63  }
0xbb: {  	s13 =	spop (v2sf);
	s12 =	rddreg [dreg:$0xc];
	s16 =	sadd.s32 s7, s11  }
0xbc: {  	[tilespmem:s8], [sflag:$0x1] =	stream.linear.gather [hbm4b:s10+s5], $0x80, $0x38;
	[tilespmem:$0x8400] =	vst v63  }
0xbd: {  	(v2sf) =	vpush v3, $0xB;
	s20 =	sand.u32 $0x1FFFFFF0, s13;
	s13 =	rddreg [dreg:$0xb];
	s21 =	spop (v2sf)  }
0xbe: {  	(v2sf) =	vpush v4, $0xC;
	s25 =	sadd.s32 s7, s20;
	s26 =	sand.u32 $0x1FFFFFF0, s21;
	s28 =	spop (v2sf)  }
0xbf: {  	[tilespmem:s22], [sflag:$0x1] =	stream.linear.gather [hbm4b:s16+s5], $0x80, $0x38;
	[tilespmem:$0x8400] =	vst v63  }
0xc0: {  	(v2sf) =	vpush v3, $0xC;
	s9 =	sadd.s32 s7, s26;
	s10 =	sand.u32 $0x1FFFFFF0, s28;
	s11 =	spop (v2sf)  }
0xc1: {  	[tilespmem:s31], [sflag:$0x1] =	stream.linear.gather [hbm4b:s25+s5], $0x80, $0x38;
	[tilespmem:$0x8400] =	vst v63  }
0xc2: {  	s22 =	rddreg [dreg:$0x8];
	s16 =	sadd.s32 s7, s10;
	s20 =	sand.u32 $0x1FFFFFF0, s11  }
0xc3: {  	[tilespmem:s13], [sflag:$0x1] =	stream.linear.gather [hbm4b:s9+s5], $0x80, $0x38;
	[tilespmem:$0x8400] =	vst v63  }
0xc4: {  	s21 =	spop (v2sf);
	s11 =	rddreg [dreg:$0x9];
	s25 =	sadd.s32 s7, s20  }
0xc5: {  	[tilespmem:s22], [sflag:$0x1] =	stream.linear.gather [hbm4b:s16+s5], $0x80, $0x38;
	[tilespmem:$0x8400] =	vst v63  }
0xc6: {  	s26 =	sand.u32 $0x1FFFFFF0, s21;
	s31 =	rddreg [dreg:$0xa];
	s28 =	spop (v2sf)  }
0xc7: {  	[tilespmem:s31], [sflag:$0x1] =	stream.linear.gather [hbm4b:s25+s5], $0x80, $0x38;
	[tilespmem:$0x8400] =	vst v63  }
0xc8: {  	s8 =	sadd.s32 s7, s26;
	s9 =	sand.u32 $0x1FFFFFF0, s28;
	s10 =	spop (v2sf)  }
0xc9: {  	[tilespmem:s11], [sflag:$0x1] =	stream.linear.gather [hbm4b:s8+s5], $0x80, $0x38;
	[tilespmem:$0x8400] =	vst v63  }
0xca: {  	s21 =	rddreg [dreg:$0x6];
	s13 =	sadd.s32 s7, s9;
	s16 =	sand.u32 $0x1FFFFFF0, s10  }
0xcb: {  	(v2sf) =	vpush v4, $0xD;
	[tilespmem:s21], [sflag:$0x1] =	stream.linear.gather [hbm4b:s13+s5], $0x80, $0x38;
	[tilespmem:$0x8400] =	vst v63  }
.Ltmp0:
0xcc: {  	(v2sf) =	vpush v3, $0xD;
	s22 =	sadd.s32 s7, s16;
	s20 =	spop (v2sf);
	(pc) =	sbr.rel @p0 .LBB2_3-.Ltmp0, $4  }
0xcd: {  	(v2sf) =	vpush v4, $0xE;
	s31 =	rddreg [dreg:$0x7];
	s25 =	sand.u32 $0x1FFFFFF0, s20;
	s26 =	spop (v2sf)  }
0xce: {  	(v2sf) =	vpush v3, $0xE;
	[tilespmem:s4], [sflag:$0x1] =	stream.linear.gather [hbm4b:s22+s5], $0x80, $0x38;
	[tilespmem:$0x8400] =	vst v63  }
0xcf: {  	(v2sf) =	vpush v4, $0xF;
	s28 =	sadd.s32 s7, s25;
	s2 =	sand.u32 $0x1FFFFFF0, s26;
	s3 =	spop (v2sf)  }
0xd0: {  	(v2sf) =	vpush v3, $0xF;
	[tilespmem:s31], [sflag:$0x1] =	stream.linear.gather [hbm4b:s28+s5], $0x80, $0x38;
	[tilespmem:$0x8400] =	vst v63  }
0xd1: {  	_ =	sdelay $0x4  }
0xd2: {  	s1 =	sadd.s32 s7, s2;
	s3 =	sand.u32 $0x1FFFFFF0, s3  }
0xd3: {  	[tilespmem:s6], [sflag:$0x1] =	stream.linear.gather [hbm4b:s1+s5], $0x80, $0x38;
	[tilespmem:$0x8400] =	vst v63  }
0xd4: {  	s6 =	sadd.s32 s7, s3  }
0xd5: {  	[tilespmem:s12], [sflag:$0x1] =	stream.linear.gather [hbm4b:s6+s5], $0x80, $0x38;
	[tilespmem:$0x8400] =	vst v63  }
0xd6: {  	s4 =	spop (v2sf)  }
0xd7: {  	s8 =	sand.u32 $0x1FFFFFF0, s4;
	s9 =	spop (v2sf)  }
0xd8: {  	s10 =	sadd.s32 s7, s8;
	s11 =	sand.u32 $0x1FFFFFF0, s9;
	s12 =	spop (v2sf)  }
0xd9: {  	[tilespmem:s14], [sflag:$0x1] =	stream.linear.gather [hbm4b:s10+s5], $0x80, $0x38;
	[tilespmem:$0x8400] =	vst v63  }
0xda: {  	s13 =	sadd.s32 s7, s11;
	s14 =	sand.u32 $0x1FFFFFF0, s12;
	s16 =	spop (v2sf)  }
0xdb: {  	[tilespmem:s19], [sflag:$0x1] =	stream.linear.gather [hbm4b:s13+s5], $0x80, $0x38;
	[tilespmem:$0x8400] =	vst v63  }
0xdc: {  	s20 =	sand.u32 $0x1FFFFFF0, s16;
	s21 =	spop (v2sf);
	s19 =	sadd.s32 s7, s14  }
0xdd: {  	[tilespmem:s0], [sflag:$0x1] =	stream.linear.gather [hbm4b:s19+s5], $0x80, $0x38;
	[tilespmem:$0x8400] =	vst v63  }
0xde: {  	s22 =	sadd.s32 s7, s20;
	s24 =	sand.u32 $0x1FFFFFF0, s21;
	s25 =	spop (v2sf)  }
0xdf: {  	[tilespmem:s15], [sflag:$0x1] =	stream.linear.gather [hbm4b:s22+s5], $0x80, $0x38;
	[tilespmem:$0x8400] =	vst v63  }
0xe0: {  	s26 =	sadd.s32 $0x980, s23;
	s1 =	sadd.s32 s7, s24;
	s2 =	sand.u32 $0x1FFFFFF0, s25  }
0xe1: {  	[tilespmem:s26], [sflag:$0x1] =	stream.linear.gather [hbm4b:s1+s5], $0x80, $0x38;
	[tilespmem:$0x8400] =	vst v63  }
0xe2: {  	s28 =	sadd.s32 $0x4980, s23;
	s30 =	simm.s32 $0x1;
	s29 =	sadd.s32 s7, s2  }
0xe3: {  	[tilespmem:s28], [sflag:$0x1] =	stream.linear.gather [hbm4b:s29+s5], $0x80, $0x38;
	[tilespmem:$0x8400] =	vst v63  }
0xe4: {  	_ =	swait.ge [sflag:s30], $0x4000  }
0xe5: {  	[sflag:s30] =	ssyncset.done $0x0  }
0xe6: {  	[sflag:s30] =	ssyncadd.s32 $0xFFFFC000  }
0xe7: {  	_ =	swait.ge [sflag:s30], $0x4000  }
0xe8: {  	[sflag:s30] =	ssyncset.done $0x0  }
0xe9: {  	s31 =	simm.s32 $0x2;
	[sflag:s30] =	ssyncadd.s32 $0xFFFFC000  }
0xea: {  	_ =	swait.ge [sflag:s31], $0x80  }
0xeb: {  	[sflag:s31] =	ssyncset.done $0x0  }
0xec: {  	[sflag:s31] =	ssyncadd.s32 $0xFFFFFF80  }
0xed: {  	_ =	swait.ge [sflag:s31], $0x80  }
0xee: {  	[sflag:s31] =	ssyncset.done $0x0  }
0xef: {  	s0 =	simm.s32 $0x0;
	s1 =	simm.s32 $0x0;
	[sflag:s31] =	ssyncadd.s32 $0xFFFFFF80  }
.LBB2_5:
0xf0: {  	s2 =	sshll.u32 s1, $0x4;
	v3 =	vmov s0  }
0xf1: {  	v4 =	vmov s2;
	v3 =	vand.u32 $0x7F, v3  }
0xf2: {  	v4 =	vshll.u32 v4, $0x7;
	v5 =	vbroadcast v3, $0x0  }
0xf3: {  	v3 =	vor.u32 v1, v4  }
0xf4: {  	s3 =	simm.s32 $0x1;
	v4 =	vor.u32 v3, v5  }
0xf5: {  	v5 =	vmov s3  }
0xf6: {  	v5 =	vand.u32 $0x7F, v5  }
0xf7: {  	v6 =	vld [tilespmem:s2+$0x8200];
	v5 =	vbroadcast v5, $0x0  }
0xf8: {  	v7 =	vld [tilespmem:s2+$0x8280]  }
0xf9: {  	v9 =	vor.u32 v3, v5;
	v8 =	vld.idx.msk [tilespmem:v4+s17+$0x0], $0xffff  }
0xfa: {  	s31 =	simm.s32 $0x2;
	v10 =	vld.idx.msk [tilespmem:v4+s18+$0x0], $0xffff  }
0xfb: {  	v4 =	vmov s31  }
0xfc: {  	v4 =	vand.u32 $0x7F, v4  }
0xfd: {  	v5 =	vadd.f32 v7, v6;
	v6 =	vbroadcast v4, $0x0  }
0xfe: {  	v4 =	vld.idx.msk [tilespmem:v9+s17+$0x0], $0xffff  }
0xff: {  	s3 =	simm.s32 $0x3;
	v5 =	vadd.f32 v5, v2;
	v7 =	vor.u32 v3, v6;
	v6 =	vld.idx.msk [tilespmem:v9+s18+$0x0], $0xffff;
	v8 =	vmul.f32 v10, v8  }
.LBB2_6:
0x100: {  	p0 =	sne.s32 s3, $0x13  }
.Ltmp1:
0x101: {  	v9 =	vmov s3;
	v5 =	vadd.f32 v8, v5;
	(pc) =	sbr.rel @p0 .LBB2_6-.Ltmp1, $4  }
0x102: {  	s3 =	sadd.s32 $0x1, s3;
	v10 =	vand.u32 $0x7F, v9  }
0x103: {  	v9 =	vbroadcast v10, $0x0  }
0x104: {  	v8 =	vmov v4;
	v4 =	vld.idx.msk [tilespmem:v7+s17+$0x0], $0xffff  }
0x105: {  	v8 =	vmul.f32 v6, v8;
	v6 =	vld.idx.msk [tilespmem:v7+s18+$0x0], $0xffff;
	v7 =	vor.u32 v3, v9  }
0x106: {  	_ =	sdelay $0x3  }
0x107: {  	v3 =	vld.idx.msk [tilespmem:v7+s17+$0x0], $0xffff  }
0x108: {  	v63 =	vld.idx.msk [tilespmem:v7+s18+$0x0], $0xffff;
	_ =	sdelay $0x2  }
0x109: {  	s1 =	sadd.s32 $0x1, s1;
	v5 =	vadd.f32 v8, v5;
	v4 =	vmul.f32 v6, v4  }
0x10a: {  	p0 =	sne.s32 s1, $0x8  }
.Ltmp2:
0x10b: {  	v3 =	vmul.f32 v63, v3;
	v4 =	vadd.f32 v4, v5;
	(pc) =	sbr.rel @p0 .LBB2_5-.Ltmp2, $3  }
0x10c: {  	_ = 	snop  }
0x10d: {  	v3 =	vadd.f32 v3, v4;
	_ =	sdelay $0x1  }
0x10e: {  	[tilespmem:s2+$0x8300] =	vst v3  }
0x10f: {  	s0 =	rddreg [dreg:$0x14]  }
0x110: {  	s1 =	rddreg [dreg:$0x4];
	s0 =	sshll.u32 s0, $0x4  }
0x111: {  	s30 =	simm.s32 $0x8300;
	s2 =	simm.s32 $0x3;
	s0 =	sadd.s32 s1, s0  }
0x112: {  	[hbm4b:s0+s5] =	stream.linear.scatter [tilespmem:s30], [sflag:$0x3], $0x80, $0x38;
	[tilespmem:$0x8400] =	vst v63  }
0x113: {  	_ =	swait.ge [sflag:s2], $0x80  }
0x114: {  	s31 =	rddreg [dreg:$0x13]  }
0x115: {  	s1 =	sadd.s32 $0x1, s31  }
0x116: {  	p0 =	sne.s32 s1, $0x4  }
.Ltmp3:
0x117: {  	_ = 	snop;
	(pc) =	sbr.rel @p0 .LBB2_2-.Ltmp3, $3  }
0x118: {  	_ =	sdelay $0x1  }
0x119: {  	[sflag:s2] =	ssyncset.done $0x0  }
0x11a: {  	[sflag:s2] =	ssyncadd.s32 $0xFFFFFF80  }
0x11b: {  	s1 =	rddreg [dreg:$0x12]  }
0x11c: {  	s0 =	rddreg [dreg:$0x11];
	s1 =	sadd.s32 $0x1, s1  }
0x11d: {  	p0 =	sne.s32 s1, s0  }
.Ltmp4:
0x11e: {  	_ = 	snop;
	(pc) =	sbr.rel @p0 .LBB2_1-.Ltmp4, $1  }
0x11f: {  	_ =	sdelay $0x3  }
0x120: {  	_ =	sfence.sel $0x180000  }
0x121: {  	[bflag:$0x0] =	sbarrier.arrive $0xFFFF  }
0x122: {  	_ =	strace $0x90000047  }
0x123: {  	s0 =	stileid.u32;
	[bflag:$0x2] =	sbarrier.arrive $0xFFFF  }
0x124: {  	p0 =	sne.s32 s0, $0x0;
	s0 =	rddreg [dreg:$0x5]  }
0x125: {  	s0 =	sadd.s32 @!p0 $0x100000, s0  }
0x126: {  	[sflag:s0] =	ssyncadd.tile.s32 @!p0 $0x1;
	_ =	shalt  }
.Lfunc_end2:
_tile_overlayer_lowered:
.L_overlay_start_2:
0x127: {  	(tag) =	ssettag $0x2  }
0x128: {  	s0 =	rddreg [dreg:$0x0];
	s2 =	stileid.u32  }
0x129: {  	s1 =	rddreg [dreg:$0x1];
	p0 =	sne.s32 s2, $0x0  }
0x12a: {  	s3 =	rddreg [dreg:$0x2];
	[bflag:$0x3] =	sbarrier.arrive $0xFFFF;
	s2 =	simm.s32 @!p0 $0x1C03  }
0x12b: {  	[timem:s3], [sflag:s2] =	dma.local @!p0 [hbm:s0], s1  }
0x12c: {  	s0 =	simm.s32 @!p0 $0x3  }
0x12d: {  	_ =	swait.ge @!p0 [sflag:s0], s1  }
0x12e: {  	s1 =	ssub.s32 @!p0 $0x0, s1;
	[sflag:s0] =	ssyncset.done @!p0 $0x0  }
0x12f: {  	[sflag:s0] =	ssyncadd.s32 @!p0 s1  }
0x130: {  	[bflag:$0x3] =	sbarrier.arrive $0xFFFF  }
0x131: {  	_ =	shalt  }

</sc_bundles>
